<compile_context>
chip_gen: v7x
topology: tpu7x:2x2x1
jax: 0.10.2.dev20260603
libtpu: 0.0.44.dev20260713+nightly
codegen_flags: <defaults>
</compile_context>

<pallas_src>
import jax
import jax.numpy as jnp
from jax import lax
from jax.experimental import pallas as pl
from jax.experimental.pallas import tpu as pltpu
from jax.experimental.pallas import tpu_sc as plsc

B = 4096
S = 50
D = 128
C = 1000

NC = 2
NS = 16
NW = NC * NS
BPW = B // NW
L = 16
DL = D // L

NB = 8


def _pool_body(ids_hbm, table_hbm, out_hbm, idx_v, rows_v, pooled_v, sems):
    wid = lax.axis_index("s") * NC + lax.axis_index("c")
    base = wid * BPW
    pltpu.sync_copy(ids_hbm.at[pl.ds(base, BPW), :], idx_v)

    def fire(e, k):
        pltpu.make_async_copy(
            table_hbm.at[idx_v.at[jnp.minimum(e, BPW - 1), pl.ds(0, S)]],
            rows_v.at[k],
            sems.at[k],
        ).start()

    def accum(e, k):
        def row(r, accs):
            return tuple(
                accs[d] + rows_v[k, r, pl.ds(d * L, L)] for d in range(DL)
            )

        accs = lax.fori_loop(
            0, S, row, tuple(jnp.zeros((L,), jnp.float32) for _ in range(DL))
        )
        for d in range(DL):
            pooled_v[e, pl.ds(d * L, L)] = accs[d]

    def wait(k):
        pltpu.make_async_copy(
            table_hbm.at[idx_v.at[0, pl.ds(0, S)]], rows_v.at[k], sems.at[k]
        ).wait()

    for k in range(NB - 1):
        fire(k, k)

    def group(g, carry):
        e0 = g * NB
        for k in range(NB):
            fire(e0 + k + NB - 1, (k + NB - 1) % NB)
            wait(k)
            accum(e0 + k, k)
        return carry

    lax.fori_loop(0, BPW // NB, group, 0)
    for k in range(NB - 1):
        wait(k)
    pltpu.sync_copy(pooled_v, out_hbm.at[pl.ds(base, BPW), :])


def _pool(ids, table):
    mesh = plsc.VectorSubcoreMesh(core_axis_name="c", subcore_axis_name="s")
    return pl.kernel(
        _pool_body,
        out_type=jax.ShapeDtypeStruct((B, D), jnp.float32),
        mesh=mesh,
        scratch_types=[
            pltpu.VMEM((BPW, 128), jnp.int32),
            pltpu.VMEM((NB, S, D), jnp.float32),
            pltpu.VMEM((BPW, D), jnp.float32),
            pltpu.SemaphoreType.DMA((NB,)),
        ],
    )(ids, table)


BT = 2048


def _mm_body(wt_ref, p_ref, b_ref, o_ref):
    o_ref[...] = (
        lax.dot_general(
            wt_ref[...],
            p_ref[...] * (1.0 / S),
            (((1,), (1,)), ((), ())),
            preferred_element_type=jnp.float32,
        )
        + b_ref[...]
    )


def _matmul_t(w_t, pooled, b_col):
    return pl.pallas_call(
        _mm_body,
        grid=(B // BT,),
        in_specs=[
            pl.BlockSpec((C, D), lambda i: (0, 0)),
            pl.BlockSpec((BT, D), lambda i: (i, 0)),
            pl.BlockSpec((C, 1), lambda i: (0, 0)),
        ],
        out_specs=pl.BlockSpec((C, BT), lambda i: (0, i)),
        out_shape=jax.ShapeDtypeStruct((C, B), jnp.float32),
    )(w_t, pooled, b_col)


@jax.jit
def kernel(input_ids, table, W, b):
    ids = input_ids.astype(jnp.int32)
    ids_pad = jnp.pad(ids, ((0, 0), (0, 128 - S)))
    pooled = _pool(ids_pad, table)
    logits_t = _matmul_t(W.T, pooled, b.reshape(C, 1))
    return logits_t.T

# --- scband reference (transcript-rebuilt; emitter-appended) ---
"""Pipeline reference for scband-embedding-classifier-240518169210 (READ-ONLY COPY).

The authoritative reference and input builder live on the scoring server;
editing this copy changes nothing except your own understanding.
"""

import jax, jax.numpy as jnp
import numpy as np

VOCAB = 100000
EMBED_DIM = 128
NUM_CLASSES = 1000
BATCH = 4096
SEQ = 50


def setup_inputs(seed: int = 0) -> dict:
    key = jax.random.key(seed)
    k1, k2, k3 = jax.random.split(key, 3)
    input_ids = jax.random.randint(k1, (BATCH, SEQ), 0, VOCAB, dtype=jnp.int64 if jax.config.jax_enable_x64 else jnp.int32)
    table = jax.random.normal(k2, (VOCAB, EMBED_DIM), dtype=jnp.float32) * 0.02
    W = jax.random.normal(k3, (EMBED_DIM, NUM_CLASSES), dtype=jnp.float32) * 0.02
    b = jnp.zeros((NUM_CLASSES,), dtype=jnp.float32)
    return {"input_ids": input_ids, "table": table, "W": W, "b": b}


def reference(input_ids, table, W, b):
    # EmbeddingLayer: gather rows of the embedding table
    emb = jnp.take(table, input_ids, axis=0)  # [B, S, D]
    # classifier: mean-pool over sequence then linear projection to logits
    pooled = jnp.mean(emb, axis=1)            # [B, D]
    logits = pooled @ W + b                   # [B, C]
    return logits

if __name__ == "__main__":
    import jax
    _d = setup_inputs()
    print(jax.jit(kernel)(*tuple(_d.values())))

</pallas_src>

<mosaic_0001>
#map = affine_map<(d0, d1) -> (0, 0)>
module attributes {stable_mosaic.version = 14 : i64} {
  func.func @_pool_body(%arg0: i32, %arg1: i32, %arg2: memref<4096x128xi32, #tpu.memory_space<hbm>>, %arg3: memref<100000x128xf32, #tpu.memory_space<hbm>>, %arg4: memref<4096x128xf32, #tpu.memory_space<hbm>>, %arg5: memref<128x128xi32, #tpu.memory_space<vmem>>, %arg6: memref<8x50x128xf32, #tpu.memory_space<vmem>>, %arg7: memref<128x128xf32, #tpu.memory_space<vmem>>, %arg8: memref<8x!tpu.dma_semaphore, #tpu.memory_space<semaphore_mem>>) attributes {dimension_semantics = [#tpu.dimension_semantics<core_parallel>, #tpu.dimension_semantics<subcore_parallel>], iteration_bounds = array<i64: 2, 16>, scalar_prefetch = 0 : i64, scratch_operands = 4 : i64, tpu.core_type = #tpu.core_type<sc_vector_subcore>, window_params = [{transform_indices = #map}, {transform_indices = #map}, {transform_indices = #map}]} {
    %mul3A = arith.constant 2 : i32
    %mul3A_0 = arith.muli %arg1, %mul3A : i32
    %add3A = arith.addi %mul3A_0, %arg0 : i32
    %mul3A_1 = arith.constant 128 : i32
    %mul3A_2 = arith.muli %add3A, %mul3A_1 : i32
    "tpu.region"() ({
      %run_scoped3A = tpu.sem_alloc : memref<!tpu.dma_semaphore, #tpu.memory_space<semaphore_mem>>
      %dma_start3A_229 = arith.constant 0 : i32
      %dma_start3A_230 = tpu.memref_slice %arg2[%mul3A_2, %dma_start3A_229] : memref<4096x128xi32, #tpu.memory_space<hbm>> -> memref<128x128xi32, #tpu.memory_space<hbm>>
      %dma_start3A_231 = arith.constant 0 : i32
      %dma_start3A_232 = tpu.memref_slice %arg2[%mul3A_2, %dma_start3A_231] : memref<4096x128xi32, #tpu.memory_space<hbm>> -> memref<128x128xi32, #tpu.memory_space<hbm>>
      tpu.enqueue_dma source(%dma_start3A_232 : memref<128x128xi32, #tpu.memory_space<hbm>>) target(%arg5 : memref<128x128xi32, #tpu.memory_space<vmem>>) target_semaphore(%run_scoped3A : memref<!tpu.dma_semaphore, #tpu.memory_space<semaphore_mem>>)
      %dma_wait3A_233 = arith.constant 0 : i32
      %dma_wait3A_234 = tpu.memref_slice %arg2[%mul3A_2, %dma_wait3A_233] : memref<4096x128xi32, #tpu.memory_space<hbm>> -> memref<128x128xi32, #tpu.memory_space<hbm>>
      %dma_wait3A_235 = arith.constant 0 : i32
      %dma_wait3A_236 = tpu.memref_slice %arg2[%mul3A_2, %dma_wait3A_235] : memref<4096x128xi32, #tpu.memory_space<hbm>> -> memref<128x128xi32, #tpu.memory_space<hbm>>
      tpu.wait_dma2 semaphore(%run_scoped3A : memref<!tpu.dma_semaphore, #tpu.memory_space<semaphore_mem>>) src(%dma_wait3A_236 : memref<128x128xi32, #tpu.memory_space<hbm>>) dst(%arg5 : memref<128x128xi32, #tpu.memory_space<vmem>>)
      tpu.yield
    }) : () -> ()
    %min3A = arith.constant 0 : i32
    %min3A_3 = arith.constant 127 : i32
    %min3A_4 = arith.minsi %min3A, %min3A_3 : i32
    %dma_start3A = arith.constant 0 : i32
    %dma_start3A_5 = arith.constant 0 : i32
    %dma_start3A_6 = arith.constant 0 : i32
    %dma_start3A_7 = arith.constant 0 : i32
    %dma_start3A_8 = tpu.memref_slice %arg6[%dma_start3A, %dma_start3A_6, %dma_start3A_7] : memref<8x50x128xf32, #tpu.memory_space<vmem>> -> memref<1x50x128xf32, #tpu.memory_space<vmem>>
    %dma_start3A_9 = tpu.memref_squeeze %dma_start3A_8 : memref<1x50x128xf32, #tpu.memory_space<vmem>> -> memref<50x128xf32, #tpu.memory_space<vmem>>
    %dma_start3A_10 = arith.constant 0 : i32
    %dma_start3A_11 = tpu.memref_slice %arg5[%min3A_4, %dma_start3A_10] : memref<128x128xi32, #tpu.memory_space<vmem>> -> memref<1x50xi32, #tpu.memory_space<vmem>>
    %dma_start3A_12 = tpu.memref_squeeze %dma_start3A_11 : memref<1x50xi32, #tpu.memory_space<vmem>> -> memref<50xi32, #tpu.memory_space<vmem>>
    %dma_start3A_13 = arith.constant 0 : i32
    %dma_start3A_14 = arith.constant 0 : i32
    %dma_start3A_15 = tpu.memref_slice %arg3[%dma_start3A_13, %dma_start3A_14] : memref<100000x128xf32, #tpu.memory_space<hbm>> -> memref<100000x128xf32, #tpu.memory_space<hbm>>
    %dma_start3A_16 = tpu.memref_slice %arg8[%dma_start3A_5] : memref<8x!tpu.dma_semaphore, #tpu.memory_space<semaphore_mem>> -> memref<1x!tpu.dma_semaphore, #tpu.memory_space<semaphore_mem>>
    %dma_start3A_17 = tpu.memref_squeeze %dma_start3A_16 : memref<1x!tpu.dma_semaphore, #tpu.memory_space<semaphore_mem>> -> memref<!tpu.dma_semaphore, #tpu.memory_space<semaphore_mem>>
    tpu.enqueue_indirect_dma source(%dma_start3A_15 : memref<100000x128xf32, #tpu.memory_space<hbm>>) target(%dma_start3A_9 : memref<50x128xf32, #tpu.memory_space<vmem>>) offsets(%dma_start3A_12 : memref<50xi32, #tpu.memory_space<vmem>>) semaphore(%dma_start3A_17 : memref<!tpu.dma_semaphore, #tpu.memory_space<semaphore_mem>>)
    %min3A_18 = arith.constant 1 : i32
    %min3A_19 = arith.constant 127 : i32
    %min3A_20 = arith.minsi %min3A_18, %min3A_19 : i32
    %dma_start3A_21 = arith.constant 1 : i32
    %dma_start3A_22 = arith.constant 1 : i32
    %dma_start3A_23 = arith.constant 0 : i32
    %dma_start3A_24 = arith.constant 0 : i32
    %dma_start3A_25 = tpu.memref_slice %arg6[%dma_start3A_21, %dma_start3A_23, %dma_start3A_24] : memref<8x50x128xf32, #tpu.memory_space<vmem>> -> memref<1x50x128xf32, #tpu.memory_space<vmem>>
    %dma_start3A_26 = tpu.memref_squeeze %dma_start3A_25 : memref<1x50x128xf32, #tpu.memory_space<vmem>> -> memref<50x128xf32, #tpu.memory_space<vmem>>
    %dma_start3A_27 = arith.constant 0 : i32
    %dma_start3A_28 = tpu.memref_slice %arg5[%min3A_20, %dma_start3A_27] : memref<128x128xi32, #tpu.memory_space<vmem>> -> memref<1x50xi32, #tpu.memory_space<vmem>>
    %dma_start3A_29 = tpu.memref_squeeze %dma_start3A_28 : memref<1x50xi32, #tpu.memory_space<vmem>> -> memref<50xi32, #tpu.memory_space<vmem>>
    %dma_start3A_30 = arith.constant 0 : i32
    %dma_start3A_31 = arith.constant 0 : i32
    %dma_start3A_32 = tpu.memref_slice %arg3[%dma_start3A_30, %dma_start3A_31] : memref<100000x128xf32, #tpu.memory_space<hbm>> -> memref<100000x128xf32, #tpu.memory_space<hbm>>
    %dma_start3A_33 = tpu.memref_slice %arg8[%dma_start3A_22] : memref<8x!tpu.dma_semaphore, #tpu.memory_space<semaphore_mem>> -> memref<1x!tpu.dma_semaphore, #tpu.memory_space<semaphore_mem>>
    %dma_start3A_34 = tpu.memref_squeeze %dma_start3A_33 : memref<1x!tpu.dma_semaphore, #tpu.memory_space<semaphore_mem>> -> memref<!tpu.dma_semaphore, #tpu.memory_space<semaphore_mem>>
    tpu.enqueue_indirect_dma source(%dma_start3A_32 : memref<100000x128xf32, #tpu.memory_space<hbm>>) target(%dma_start3A_26 : memref<50x128xf32, #tpu.memory_space<vmem>>) offsets(%dma_start3A_29 : memref<50xi32, #tpu.memory_space<vmem>>) semaphore(%dma_start3A_34 : memref<!tpu.dma_semaphore, #tpu.memory_space<semaphore_mem>>)
    %min3A_35 = arith.constant 2 : i32
    %min3A_36 = arith.constant 127 : i32
    %min3A_37 = arith.minsi %min3A_35, %min3A_36 : i32
    %dma_start3A_38 = arith.constant 2 : i32
    %dma_start3A_39 = arith.constant 2 : i32
    %dma_start3A_40 = arith.constant 0 : i32
    %dma_start3A_41 = arith.constant 0 : i32
    %dma_start3A_42 = tpu.memref_slice %arg6[%dma_start3A_38, %dma_start3A_40, %dma_start3A_41] : memref<8x50x128xf32, #tpu.memory_space<vmem>> -> memref<1x50x128xf32, #tpu.memory_space<vmem>>
    %dma_start3A_43 = tpu.memref_squeeze %dma_start3A_42 : memref<1x50x128xf32, #tpu.memory_space<vmem>> -> memref<50x128xf32, #tpu.memory_space<vmem>>
    %dma_start3A_44 = arith.constant 0 : i32
    %dma_start3A_45 = tpu.memref_slice %arg5[%min3A_37, %dma_start3A_44] : memref<128x128xi32, #tpu.memory_space<vmem>> -> memref<1x50xi32, #tpu.memory_space<vmem>>
    %dma_start3A_46 = tpu.memref_squeeze %dma_start3A_45 : memref<1x50xi32, #tpu.memory_space<vmem>> -> memref<50xi32, #tpu.memory_space<vmem>>
    %dma_start3A_47 = arith.constant 0 : i32
    %dma_start3A_48 = arith.constant 0 : i32
    %dma_start3A_49 = tpu.memref_slice %arg3[%dma_start3A_47, %dma_start3A_48] : memref<100000x128xf32, #tpu.memory_space<hbm>> -> memref<100000x128xf32, #tpu.memory_space<hbm>>
    %dma_start3A_50 = tpu.memref_slice %arg8[%dma_start3A_39] : memref<8x!tpu.dma_semaphore, #tpu.memory_space<semaphore_mem>> -> memref<1x!tpu.dma_semaphore, #tpu.memory_space<semaphore_mem>>
    %dma_start3A_51 = tpu.memref_squeeze %dma_start3A_50 : memref<1x!tpu.dma_semaphore, #tpu.memory_space<semaphore_mem>> -> memref<!tpu.dma_semaphore, #tpu.memory_space<semaphore_mem>>
    tpu.enqueue_indirect_dma source(%dma_start3A_49 : memref<100000x128xf32, #tpu.memory_space<hbm>>) target(%dma_start3A_43 : memref<50x128xf32, #tpu.memory_space<vmem>>) offsets(%dma_start3A_46 : memref<50xi32, #tpu.memory_space<vmem>>) semaphore(%dma_start3A_51 : memref<!tpu.dma_semaphore, #tpu.memory_space<semaphore_mem>>)
    %min3A_52 = arith.constant 3 : i32
    %min3A_53 = arith.constant 127 : i32
    %min3A_54 = arith.minsi %min3A_52, %min3A_53 : i32
    %dma_start3A_55 = arith.constant 3 : i32
    %dma_start3A_56 = arith.constant 3 : i32
    %dma_start3A_57 = arith.constant 0 : i32
    %dma_start3A_58 = arith.constant 0 : i32
    %dma_start3A_59 = tpu.memref_slice %arg6[%dma_start3A_55, %dma_start3A_57, %dma_start3A_58] : memref<8x50x128xf32, #tpu.memory_space<vmem>> -> memref<1x50x128xf32, #tpu.memory_space<vmem>>
    %dma_start3A_60 = tpu.memref_squeeze %dma_start3A_59 : memref<1x50x128xf32, #tpu.memory_space<vmem>> -> memref<50x128xf32, #tpu.memory_space<vmem>>
    %dma_start3A_61 = arith.constant 0 : i32
    %dma_start3A_62 = tpu.memref_slice %arg5[%min3A_54, %dma_start3A_61] : memref<128x128xi32, #tpu.memory_space<vmem>> -> memref<1x50xi32, #tpu.memory_space<vmem>>
    %dma_start3A_63 = tpu.memref_squeeze %dma_start3A_62 : memref<1x50xi32, #tpu.memory_space<vmem>> -> memref<50xi32, #tpu.memory_space<vmem>>
    %dma_start3A_64 = arith.constant 0 : i32
    %dma_start3A_65 = arith.constant 0 : i32
    %dma_start3A_66 = tpu.memref_slice %arg3[%dma_start3A_64, %dma_start3A_65] : memref<100000x128xf32, #tpu.memory_space<hbm>> -> memref<100000x128xf32, #tpu.memory_space<hbm>>
    %dma_start3A_67 = tpu.memref_slice %arg8[%dma_start3A_56] : memref<8x!tpu.dma_semaphore, #tpu.memory_space<semaphore_mem>> -> memref<1x!tpu.dma_semaphore, #tpu.memory_space<semaphore_mem>>
    %dma_start3A_68 = tpu.memref_squeeze %dma_start3A_67 : memref<1x!tpu.dma_semaphore, #tpu.memory_space<semaphore_mem>> -> memref<!tpu.dma_semaphore, #tpu.memory_space<semaphore_mem>>
    tpu.enqueue_indirect_dma source(%dma_start3A_66 : memref<100000x128xf32, #tpu.memory_space<hbm>>) target(%dma_start3A_60 : memref<50x128xf32, #tpu.memory_space<vmem>>) offsets(%dma_start3A_63 : memref<50xi32, #tpu.memory_space<vmem>>) semaphore(%dma_start3A_68 : memref<!tpu.dma_semaphore, #tpu.memory_space<semaphore_mem>>)
    %min3A_69 = arith.constant 4 : i32
    %min3A_70 = arith.constant 127 : i32
    %min3A_71 = arith.minsi %min3A_69, %min3A_70 : i32
    %dma_start3A_72 = arith.constant 4 : i32
    %dma_start3A_73 = arith.constant 4 : i32
    %dma_start3A_74 = arith.constant 0 : i32
    %dma_start3A_75 = arith.constant 0 : i32
    %dma_start3A_76 = tpu.memref_slice %arg6[%dma_start3A_72, %dma_start3A_74, %dma_start3A_75] : memref<8x50x128xf32, #tpu.memory_space<vmem>> -> memref<1x50x128xf32, #tpu.memory_space<vmem>>
    %dma_start3A_77 = tpu.memref_squeeze %dma_start3A_76 : memref<1x50x128xf32, #tpu.memory_space<vmem>> -> memref<50x128xf32, #tpu.memory_space<vmem>>
    %dma_start3A_78 = arith.constant 0 : i32
    %dma_start3A_79 = tpu.memref_slice %arg5[%min3A_71, %dma_start3A_78] : memref<128x128xi32, #tpu.memory_space<vmem>> -> memref<1x50xi32, #tpu.memory_space<vmem>>
    %dma_start3A_80 = tpu.memref_squeeze %dma_start3A_79 : memref<1x50xi32, #tpu.memory_space<vmem>> -> memref<50xi32, #tpu.memory_space<vmem>>
    %dma_start3A_81 = arith.constant 0 : i32
    %dma_start3A_82 = arith.constant 0 : i32
    %dma_start3A_83 = tpu.memref_slice %arg3[%dma_start3A_81, %dma_start3A_82] : memref<100000x128xf32, #tpu.memory_space<hbm>> -> memref<100000x128xf32, #tpu.memory_space<hbm>>
    %dma_start3A_84 = tpu.memref_slice %arg8[%dma_start3A_73] : memref<8x!tpu.dma_semaphore, #tpu.memory_space<semaphore_mem>> -> memref<1x!tpu.dma_semaphore, #tpu.memory_space<semaphore_mem>>
    %dma_start3A_85 = tpu.memref_squeeze %dma_start3A_84 : memref<1x!tpu.dma_semaphore, #tpu.memory_space<semaphore_mem>> -> memref<!tpu.dma_semaphore, #tpu.memory_space<semaphore_mem>>
    tpu.enqueue_indirect_dma source(%dma_start3A_83 : memref<100000x128xf32, #tpu.memory_space<hbm>>) target(%dma_start3A_77 : memref<50x128xf32, #tpu.memory_space<vmem>>) offsets(%dma_start3A_80 : memref<50xi32, #tpu.memory_space<vmem>>) semaphore(%dma_start3A_85 : memref<!tpu.dma_semaphore, #tpu.memory_space<semaphore_mem>>)
    %min3A_86 = arith.constant 5 : i32
    %min3A_87 = arith.constant 127 : i32
    %min3A_88 = arith.minsi %min3A_86, %min3A_87 : i32
    %dma_start3A_89 = arith.constant 5 : i32
    %dma_start3A_90 = arith.constant 5 : i32
    %dma_start3A_91 = arith.constant 0 : i32
    %dma_start3A_92 = arith.constant 0 : i32
    %dma_start3A_93 = tpu.memref_slice %arg6[%dma_start3A_89, %dma_start3A_91, %dma_start3A_92] : memref<8x50x128xf32, #tpu.memory_space<vmem>> -> memref<1x50x128xf32, #tpu.memory_space<vmem>>
    %dma_start3A_94 = tpu.memref_squeeze %dma_start3A_93 : memref<1x50x128xf32, #tpu.memory_space<vmem>> -> memref<50x128xf32, #tpu.memory_space<vmem>>
    %dma_start3A_95 = arith.constant 0 : i32
    %dma_start3A_96 = tpu.memref_slice %arg5[%min3A_88, %dma_start3A_95] : memref<128x128xi32, #tpu.memory_space<vmem>> -> memref<1x50xi32, #tpu.memory_space<vmem>>
    %dma_start3A_97 = tpu.memref_squeeze %dma_start3A_96 : memref<1x50xi32, #tpu.memory_space<vmem>> -> memref<50xi32, #tpu.memory_space<vmem>>
    %dma_start3A_98 = arith.constant 0 : i32
    %dma_start3A_99 = arith.constant 0 : i32
    %dma_start3A_100 = tpu.memref_slice %arg3[%dma_start3A_98, %dma_start3A_99] : memref<100000x128xf32, #tpu.memory_space<hbm>> -> memref<100000x128xf32, #tpu.memory_space<hbm>>
    %dma_start3A_101 = tpu.memref_slice %arg8[%dma_start3A_90] : memref<8x!tpu.dma_semaphore, #tpu.memory_space<semaphore_mem>> -> memref<1x!tpu.dma_semaphore, #tpu.memory_space<semaphore_mem>>
    %dma_start3A_102 = tpu.memref_squeeze %dma_start3A_101 : memref<1x!tpu.dma_semaphore, #tpu.memory_space<semaphore_mem>> -> memref<!tpu.dma_semaphore, #tpu.memory_space<semaphore_mem>>
    tpu.enqueue_indirect_dma source(%dma_start3A_100 : memref<100000x128xf32, #tpu.memory_space<hbm>>) target(%dma_start3A_94 : memref<50x128xf32, #tpu.memory_space<vmem>>) offsets(%dma_start3A_97 : memref<50xi32, #tpu.memory_space<vmem>>) semaphore(%dma_start3A_102 : memref<!tpu.dma_semaphore, #tpu.memory_space<semaphore_mem>>)
    %min3A_103 = arith.constant 6 : i32
    %min3A_104 = arith.constant 127 : i32
    %min3A_105 = arith.minsi %min3A_103, %min3A_104 : i32
    %dma_start3A_106 = arith.constant 6 : i32
    %dma_start3A_107 = arith.constant 6 : i32
    %dma_start3A_108 = arith.constant 0 : i32
    %dma_start3A_109 = arith.constant 0 : i32
    %dma_start3A_110 = tpu.memref_slice %arg6[%dma_start3A_106, %dma_start3A_108, %dma_start3A_109] : memref<8x50x128xf32, #tpu.memory_space<vmem>> -> memref<1x50x128xf32, #tpu.memory_space<vmem>>
    %dma_start3A_111 = tpu.memref_squeeze %dma_start3A_110 : memref<1x50x128xf32, #tpu.memory_space<vmem>> -> memref<50x128xf32, #tpu.memory_space<vmem>>
    %dma_start3A_112 = arith.constant 0 : i32
    %dma_start3A_113 = tpu.memref_slice %arg5[%min3A_105, %dma_start3A_112] : memref<128x128xi32, #tpu.memory_space<vmem>> -> memref<1x50xi32, #tpu.memory_space<vmem>>
    %dma_start3A_114 = tpu.memref_squeeze %dma_start3A_113 : memref<1x50xi32, #tpu.memory_space<vmem>> -> memref<50xi32, #tpu.memory_space<vmem>>
    %dma_start3A_115 = arith.constant 0 : i32
    %dma_start3A_116 = arith.constant 0 : i32
    %dma_start3A_117 = tpu.memref_slice %arg3[%dma_start3A_115, %dma_start3A_116] : memref<100000x128xf32, #tpu.memory_space<hbm>> -> memref<100000x128xf32, #tpu.memory_space<hbm>>
    %dma_start3A_118 = tpu.memref_slice %arg8[%dma_start3A_107] : memref<8x!tpu.dma_semaphore, #tpu.memory_space<semaphore_mem>> -> memref<1x!tpu.dma_semaphore, #tpu.memory_space<semaphore_mem>>
    %dma_start3A_119 = tpu.memref_squeeze %dma_start3A_118 : memref<1x!tpu.dma_semaphore, #tpu.memory_space<semaphore_mem>> -> memref<!tpu.dma_semaphore, #tpu.memory_space<semaphore_mem>>
    tpu.enqueue_indirect_dma source(%dma_start3A_117 : memref<100000x128xf32, #tpu.memory_space<hbm>>) target(%dma_start3A_111 : memref<50x128xf32, #tpu.memory_space<vmem>>) offsets(%dma_start3A_114 : memref<50xi32, #tpu.memory_space<vmem>>) semaphore(%dma_start3A_119 : memref<!tpu.dma_semaphore, #tpu.memory_space<semaphore_mem>>)
    %scan3A = arith.constant 0 : i32
    %scan3A_120 = arith.constant 0 : i32
    %scan3A_121 = arith.constant 16 : i32
    %scan3A_122 = arith.addi %scan3A_120, %scan3A_121 : i32
    %scan3A_123 = arith.constant 1 : i32
    scf.for %scan3A_229 = %scan3A_120 to %scan3A_122 step %scan3A_123  : i32 {
      %mul3A_230 = arith.constant 8 : i32
      %mul3A_231 = arith.muli %scan3A_229, %mul3A_230 : i32
      %add3A_232 = arith.constant 0 : i32
      %add3A_233 = arith.addi %mul3A_231, %add3A_232 : i32
      %add3A_234 = arith.constant 8 : i32
      %add3A_235 = arith.addi %add3A_233, %add3A_234 : i32
      %sub3A = arith.constant 1 : i32
      %sub3A_236 = arith.subi %add3A_235, %sub3A : i32
      %min3A_237 = arith.constant 127 : i32
      %min3A_238 = arith.minsi %sub3A_236, %min3A_237 : i32
      %dma_start3A_239 = arith.constant 7 : i32
      %dma_start3A_240 = arith.constant 7 : i32
      %dma_start3A_241 = arith.constant 0 : i32
      %dma_start3A_242 = arith.constant 0 : i32
      %dma_start3A_243 = tpu.memref_slice %arg6[%dma_start3A_239, %dma_start3A_241, %dma_start3A_242] : memref<8x50x128xf32, #tpu.memory_space<vmem>> -> memref<1x50x128xf32, #tpu.memory_space<vmem>>
      %dma_start3A_244 = tpu.memref_squeeze %dma_start3A_243 : memref<1x50x128xf32, #tpu.memory_space<vmem>> -> memref<50x128xf32, #tpu.memory_space<vmem>>
      %dma_start3A_245 = arith.constant 0 : i32
      %dma_start3A_246 = tpu.memref_slice %arg5[%min3A_238, %dma_start3A_245] : memref<128x128xi32, #tpu.memory_space<vmem>> -> memref<1x50xi32, #tpu.memory_space<vmem>>
      %dma_start3A_247 = tpu.memref_squeeze %dma_start3A_246 : memref<1x50xi32, #tpu.memory_space<vmem>> -> memref<50xi32, #tpu.memory_space<vmem>>
      %dma_start3A_248 = arith.constant 0 : i32
      %dma_start3A_249 = arith.constant 0 : i32
      %dma_start3A_250 = tpu.memref_slice %arg3[%dma_start3A_248, %dma_start3A_249] : memref<100000x128xf32, #tpu.memory_space<hbm>> -> memref<100000x128xf32, #tpu.memory_space<hbm>>
      %dma_start3A_251 = tpu.memref_slice %arg8[%dma_start3A_240] : memref<8x!tpu.dma_semaphore, #tpu.memory_space<semaphore_mem>> -> memref<1x!tpu.dma_semaphore, #tpu.memory_space<semaphore_mem>>
      %dma_start3A_252 = tpu.memref_squeeze %dma_start3A_251 : memref<1x!tpu.dma_semaphore, #tpu.memory_space<semaphore_mem>> -> memref<!tpu.dma_semaphore, #tpu.memory_space<semaphore_mem>>
      tpu.enqueue_indirect_dma source(%dma_start3A_250 : memref<100000x128xf32, #tpu.memory_space<hbm>>) target(%dma_start3A_244 : memref<50x128xf32, #tpu.memory_space<vmem>>) offsets(%dma_start3A_247 : memref<50xi32, #tpu.memory_space<vmem>>) semaphore(%dma_start3A_252 : memref<!tpu.dma_semaphore, #tpu.memory_space<semaphore_mem>>)
      %dma_wait3A_253 = arith.constant 0 : i32
      %dma_wait3A_254 = arith.constant 0 : i32
      %dma_wait3A_255 = arith.constant 0 : i32
      %dma_wait3A_256 = arith.constant 0 : i32
      %dma_wait3A_257 = arith.constant 0 : i32
      %dma_wait3A_258 = tpu.memref_slice %arg6[%dma_wait3A_254, %dma_wait3A_256, %dma_wait3A_257] : memref<8x50x128xf32, #tpu.memory_space<vmem>> -> memref<1x50x128xf32, #tpu.memory_space<vmem>>
      %dma_wait3A_259 = tpu.memref_squeeze %dma_wait3A_258 : memref<1x50x128xf32, #tpu.memory_space<vmem>> -> memref<50x128xf32, #tpu.memory_space<vmem>>
      %dma_wait3A_260 = arith.constant 0 : i32
      %dma_wait3A_261 = tpu.memref_slice %arg5[%dma_wait3A_253, %dma_wait3A_260] : memref<128x128xi32, #tpu.memory_space<vmem>> -> memref<1x50xi32, #tpu.memory_space<vmem>>
      %dma_wait3A_262 = tpu.memref_squeeze %dma_wait3A_261 : memref<1x50xi32, #tpu.memory_space<vmem>> -> memref<50xi32, #tpu.memory_space<vmem>>
      %dma_wait3A_263 = arith.constant 0 : i32
      %dma_wait3A_264 = arith.constant 0 : i32
      %dma_wait3A_265 = tpu.memref_slice %arg3[%dma_wait3A_263, %dma_wait3A_264] : memref<100000x128xf32, #tpu.memory_space<hbm>> -> memref<100000x128xf32, #tpu.memory_space<hbm>>
      %dma_wait3A_266 = tpu.memref_slice %arg8[%dma_wait3A_255] : memref<8x!tpu.dma_semaphore, #tpu.memory_space<semaphore_mem>> -> memref<1x!tpu.dma_semaphore, #tpu.memory_space<semaphore_mem>>
      %dma_wait3A_267 = tpu.memref_squeeze %dma_wait3A_266 : memref<1x!tpu.dma_semaphore, #tpu.memory_space<semaphore_mem>> -> memref<!tpu.dma_semaphore, #tpu.memory_space<semaphore_mem>>
      tpu.wait_indirect_dma semaphore(%dma_wait3A_267 : memref<!tpu.dma_semaphore, #tpu.memory_space<semaphore_mem>>) src(%dma_wait3A_265 : memref<100000x128xf32, #tpu.memory_space<hbm>>) dst(%dma_wait3A_259 : memref<50x128xf32, #tpu.memory_space<vmem>>)
      %add3A_268 = arith.constant 0 : i32
      %add3A_269 = arith.addi %mul3A_231, %add3A_268 : i32
      %broadcast_in_dim3A = arith.constant 0.000000e+00 : f32
      %broadcast_in_dim3A_270 = vector.broadcast %broadcast_in_dim3A : f32 to vector<16xf32>
      %broadcast_in_dim3A_271 = arith.constant 0.000000e+00 : f32
      %broadcast_in_dim3A_272 = vector.broadcast %broadcast_in_dim3A_271 : f32 to vector<16xf32>
      %broadcast_in_dim3A_273 = arith.constant 0.000000e+00 : f32
      %broadcast_in_dim3A_274 = vector.broadcast %broadcast_in_dim3A_273 : f32 to vector<16xf32>
      %broadcast_in_dim3A_275 = arith.constant 0.000000e+00 : f32
      %broadcast_in_dim3A_276 = vector.broadcast %broadcast_in_dim3A_275 : f32 to vector<16xf32>
      %broadcast_in_dim3A_277 = arith.constant 0.000000e+00 : f32
      %broadcast_in_dim3A_278 = vector.broadcast %broadcast_in_dim3A_277 : f32 to vector<16xf32>
      %broadcast_in_dim3A_279 = arith.constant 0.000000e+00 : f32
      %broadcast_in_dim3A_280 = vector.broadcast %broadcast_in_dim3A_279 : f32 to vector<16xf32>
      %broadcast_in_dim3A_281 = arith.constant 0.000000e+00 : f32
      %broadcast_in_dim3A_282 = vector.broadcast %broadcast_in_dim3A_281 : f32 to vector<16xf32>
      %broadcast_in_dim3A_283 = arith.constant 0.000000e+00 : f32
      %broadcast_in_dim3A_284 = vector.broadcast %broadcast_in_dim3A_283 : f32 to vector<16xf32>
      %scan3A_285 = arith.constant 0 : i32
      %scan3A_286 = arith.constant 50 : i32
      %scan3A_287 = arith.addi %scan3A_285, %scan3A_286 : i32
      %scan3A_288 = arith.constant 1 : i32
      %scan3A_289:8 = scf.for %scan3A_1037 = %scan3A_285 to %scan3A_287 step %scan3A_288 iter_args(%scan3A_1038 = %broadcast_in_dim3A_270, %scan3A_1039 = %broadcast_in_dim3A_272, %scan3A_1040 = %broadcast_in_dim3A_274, %scan3A_1041 = %broadcast_in_dim3A_276, %scan3A_1042 = %broadcast_in_dim3A_278, %scan3A_1043 = %broadcast_in_dim3A_280, %scan3A_1044 = %broadcast_in_dim3A_282, %scan3A_1045 = %broadcast_in_dim3A_284) -> (vector<16xf32>, vector<16xf32>, vector<16xf32>, vector<16xf32>, vector<16xf32>, vector<16xf32>, vector<16xf32>, vector<16xf32>)  : i32 {
        %get3A = arith.constant 0 : i32
        %get3A_1046 = arith.index_cast %get3A : i32 to index
        %get3A_1047 = arith.index_cast %scan3A_1037 : i32 to index
        %get3A_1048 = arith.constant 0 : index
        %get3A_1049 = tpu.vector_load %arg6[%get3A_1046, %get3A_1047, %get3A_1048] {strides = array<i32>} : memref<8x50x128xf32, #tpu.memory_space<vmem>>, vector<1x1x16xf32>,
        %get3A_1050 = vector.shape_cast %get3A_1049 : vector<1x1x16xf32> to vector<16xf32>
        %add3A_1051 = arith.addf %scan3A_1038, %get3A_1050 : vector<16xf32>
        %get3A_1052 = arith.constant 0 : i32
        %get3A_1053 = arith.index_cast %get3A_1052 : i32 to index
        %get3A_1054 = arith.index_cast %scan3A_1037 : i32 to index
        %get3A_1055 = arith.constant 16 : index
        %get3A_1056 = tpu.vector_load %arg6[%get3A_1053, %get3A_1054, %get3A_1055] {strides = array<i32>} : memref<8x50x128xf32, #tpu.memory_space<vmem>>, vector<1x1x16xf32>,
        %get3A_1057 = vector.shape_cast %get3A_1056 : vector<1x1x16xf32> to vector<16xf32>
        %add3A_1058 = arith.addf %scan3A_1039, %get3A_1057 : vector<16xf32>
        %get3A_1059 = arith.constant 0 : i32
        %get3A_1060 = arith.index_cast %get3A_1059 : i32 to index
        %get3A_1061 = arith.index_cast %scan3A_1037 : i32 to index
        %get3A_1062 = arith.constant 32 : index
        %get3A_1063 = tpu.vector_load %arg6[%get3A_1060, %get3A_1061, %get3A_1062] {strides = array<i32>} : memref<8x50x128xf32, #tpu.memory_space<vmem>>, vector<1x1x16xf32>,
        %get3A_1064 = vector.shape_cast %get3A_1063 : vector<1x1x16xf32> to vector<16xf32>
        %add3A_1065 = arith.addf %scan3A_1040, %get3A_1064 : vector<16xf32>
        %get3A_1066 = arith.constant 0 : i32
        %get3A_1067 = arith.index_cast %get3A_1066 : i32 to index
        %get3A_1068 = arith.index_cast %scan3A_1037 : i32 to index
        %get3A_1069 = arith.constant 48 : index
        %get3A_1070 = tpu.vector_load %arg6[%get3A_1067, %get3A_1068, %get3A_1069] {strides = array<i32>} : memref<8x50x128xf32, #tpu.memory_space<vmem>>, vector<1x1x16xf32>,
        %get3A_1071 = vector.shape_cast %get3A_1070 : vector<1x1x16xf32> to vector<16xf32>
        %add3A_1072 = arith.addf %scan3A_1041, %get3A_1071 : vector<16xf32>
        %get3A_1073 = arith.constant 0 : i32
        %get3A_1074 = arith.index_cast %get3A_1073 : i32 to index
        %get3A_1075 = arith.index_cast %scan3A_1037 : i32 to index
        %get3A_1076 = arith.constant 64 : index
        %get3A_1077 = tpu.vector_load %arg6[%get3A_1074, %get3A_1075, %get3A_1076] {strides = array<i32>} : memref<8x50x128xf32, #tpu.memory_space<vmem>>, vector<1x1x16xf32>,
        %get3A_1078 = vector.shape_cast %get3A_1077 : vector<1x1x16xf32> to vector<16xf32>
        %add3A_1079 = arith.addf %scan3A_1042, %get3A_1078 : vector<16xf32>
        %get3A_1080 = arith.constant 0 : i32
        %get3A_1081 = arith.index_cast %get3A_1080 : i32 to index
        %get3A_1082 = arith.index_cast %scan3A_1037 : i32 to index
        %get3A_1083 = arith.constant 80 : index
        %get3A_1084 = tpu.vector_load %arg6[%get3A_1081, %get3A_1082, %get3A_1083] {strides = array<i32>} : memref<8x50x128xf32, #tpu.memory_space<vmem>>, vector<1x1x16xf32>,
        %get3A_1085 = vector.shape_cast %get3A_1084 : vector<1x1x16xf32> to vector<16xf32>
        %add3A_1086 = arith.addf %scan3A_1043, %get3A_1085 : vector<16xf32>
        %get3A_1087 = arith.constant 0 : i32
        %get3A_1088 = arith.index_cast %get3A_1087 : i32 to index
        %get3A_1089 = arith.index_cast %scan3A_1037 : i32 to index
        %get3A_1090 = arith.constant 96 : index
        %get3A_1091 = tpu.vector_load %arg6[%get3A_1088, %get3A_1089, %get3A_1090] {strides = array<i32>} : memref<8x50x128xf32, #tpu.memory_space<vmem>>, vector<1x1x16xf32>,
        %get3A_1092 = vector.shape_cast %get3A_1091 : vector<1x1x16xf32> to vector<16xf32>
        %add3A_1093 = arith.addf %scan3A_1044, %get3A_1092 : vector<16xf32>
        %get3A_1094 = arith.constant 0 : i32
        %get3A_1095 = arith.index_cast %get3A_1094 : i32 to index
        %get3A_1096 = arith.index_cast %scan3A_1037 : i32 to index
        %get3A_1097 = arith.constant 112 : index
        %get3A_1098 = tpu.vector_load %arg6[%get3A_1095, %get3A_1096, %get3A_1097] {strides = array<i32>} : memref<8x50x128xf32, #tpu.memory_space<vmem>>, vector<1x1x16xf32>,
        %get3A_1099 = vector.shape_cast %get3A_1098 : vector<1x1x16xf32> to vector<16xf32>
        %add3A_1100 = arith.addf %scan3A_1045, %get3A_1099 : vector<16xf32>
        scf.yield %add3A_1051, %add3A_1058, %add3A_1065, %add3A_1072, %add3A_1079, %add3A_1086, %add3A_1093, %add3A_1100 : vector<16xf32>, vector<16xf32>, vector<16xf32>, vector<16xf32>, vector<16xf32>, vector<16xf32>, vector<16xf32>, vector<16xf32>
      }
      %scan3A_290 = arith.constant 50 : i32
      %swap3A = arith.index_cast %add3A_269 : i32 to index
      %swap3A_291 = arith.constant 0 : index
      %swap3A_292 = tpu.vector_load %arg7[%swap3A, %swap3A_291] {strides = array<i32>} : memref<128x128xf32, #tpu.memory_space<vmem>>, vector<1x16xf32>,
      %swap3A_293 = vector.shape_cast %swap3A_292 : vector<1x16xf32> to vector<16xf32>
      %swap3A_294 = vector.shape_cast %scan3A_289#0 : vector<16xf32> to vector<1x16xf32>
      tpu.vector_store %arg7[%swap3A, %swap3A_291], %swap3A_294 {strides = array<i32>} : memref<128x128xf32, #tpu.memory_space<vmem>>, vector<1x16xf32>,
      %swap3A_295 = arith.index_cast %add3A_269 : i32 to index
      %swap3A_296 = arith.constant 16 : index
      %swap3A_297 = tpu.vector_load %arg7[%swap3A_295, %swap3A_296] {strides = array<i32>} : memref<128x128xf32, #tpu.memory_space<vmem>>, vector<1x16xf32>,
      %swap3A_298 = vector.shape_cast %swap3A_297 : vector<1x16xf32> to vector<16xf32>
      %swap3A_299 = vector.shape_cast %scan3A_289#1 : vector<16xf32> to vector<1x16xf32>
      tpu.vector_store %arg7[%swap3A_295, %swap3A_296], %swap3A_299 {strides = array<i32>} : memref<128x128xf32, #tpu.memory_space<vmem>>, vector<1x16xf32>,
      %swap3A_300 = arith.index_cast %add3A_269 : i32 to index
      %swap3A_301 = arith.constant 32 : index
      %swap3A_302 = tpu.vector_load %arg7[%swap3A_300, %swap3A_301] {strides = array<i32>} : memref<128x128xf32, #tpu.memory_space<vmem>>, vector<1x16xf32>,
      %swap3A_303 = vector.shape_cast %swap3A_302 : vector<1x16xf32> to vector<16xf32>
      %swap3A_304 = vector.shape_cast %scan3A_289#2 : vector<16xf32> to vector<1x16xf32>
      tpu.vector_store %arg7[%swap3A_300, %swap3A_301], %swap3A_304 {strides = array<i32>} : memref<128x128xf32, #tpu.memory_space<vmem>>, vector<1x16xf32>,
      %swap3A_305 = arith.index_cast %add3A_269 : i32 to index
      %swap3A_306 = arith.constant 48 : index
      %swap3A_307 = tpu.vector_load %arg7[%swap3A_305, %swap3A_306] {strides = array<i32>} : memref<128x128xf32, #tpu.memory_space<vmem>>, vector<1x16xf32>,
      %swap3A_308 = vector.shape_cast %swap3A_307 : vector<1x16xf32> to vector<16xf32>
      %swap3A_309 = vector.shape_cast %scan3A_289#3 : vector<16xf32> to vector<1x16xf32>
      tpu.vector_store %arg7[%swap3A_305, %swap3A_306], %swap3A_309 {strides = array<i32>} : memref<128x128xf32, #tpu.memory_space<vmem>>, vector<1x16xf32>,
      %swap3A_310 = arith.index_cast %add3A_269 : i32 to index
      %swap3A_311 = arith.constant 64 : index
      %swap3A_312 = tpu.vector_load %arg7[%swap3A_310, %swap3A_311] {strides = array<i32>} : memref<128x128xf32, #tpu.memory_space<vmem>>, vector<1x16xf32>,
      %swap3A_313 = vector.shape_cast %swap3A_312 : vector<1x16xf32> to vector<16xf32>
      %swap3A_314 = vector.shape_cast %scan3A_289#4 : vector<16xf32> to vector<1x16xf32>
      tpu.vector_store %arg7[%swap3A_310, %swap3A_311], %swap3A_314 {strides = array<i32>} : memref<128x128xf32, #tpu.memory_space<vmem>>, vector<1x16xf32>,
      %swap3A_315 = arith.index_cast %add3A_269 : i32 to index
      %swap3A_316 = arith.constant 80 : index
      %swap3A_317 = tpu.vector_load %arg7[%swap3A_315, %swap3A_316] {strides = array<i32>} : memref<128x128xf32, #tpu.memory_space<vmem>>, vector<1x16xf32>,
      %swap3A_318 = vector.shape_cast %swap3A_317 : vector<1x16xf32> to vector<16xf32>
      %swap3A_319 = vector.shape_cast %scan3A_289#5 : vector<16xf32> to vector<1x16xf32>
      tpu.vector_store %arg7[%swap3A_315, %swap3A_316], %swap3A_319 {strides = array<i32>} : memref<128x128xf32, #tpu.memory_space<vmem>>, vector<1x16xf32>,
      %swap3A_320 = arith.index_cast %add3A_269 : i32 to index
      %swap3A_321 = arith.constant 96 : index
      %swap3A_322 = tpu.vector_load %arg7[%swap3A_320, %swap3A_321] {strides = array<i32>} : memref<128x128xf32, #tpu.memory_space<vmem>>, vector<1x16xf32>,
      %swap3A_323 = vector.shape_cast %swap3A_322 : vector<1x16xf32> to vector<16xf32>
      %swap3A_324 = vector.shape_cast %scan3A_289#6 : vector<16xf32> to vector<1x16xf32>
      tpu.vector_store %arg7[%swap3A_320, %swap3A_321], %swap3A_324 {strides = array<i32>} : memref<128x128xf32, #tpu.memory_space<vmem>>, vector<1x16xf32>,
      %swap3A_325 = arith.index_cast %add3A_269 : i32 to index
      %swap3A_326 = arith.constant 112 : index
      %swap3A_327 = tpu.vector_load %arg7[%swap3A_325, %swap3A_326] {strides = array<i32>} : memref<128x128xf32, #tpu.memory_space<vmem>>, vector<1x16xf32>,
      %swap3A_328 = vector.shape_cast %swap3A_327 : vector<1x16xf32> to vector<16xf32>
      %swap3A_329 = vector.shape_cast %scan3A_289#7 : vector<16xf32> to vector<1x16xf32>
      tpu.vector_store %arg7[%swap3A_325, %swap3A_326], %swap3A_329 {strides = array<i32>} : memref<128x128xf32, #tpu.memory_space<vmem>>, vector<1x16xf32>,
      %add3A_330 = arith.constant 1 : i32
      %add3A_331 = arith.addi %mul3A_231, %add3A_330 : i32
      %add3A_332 = arith.constant 8 : i32
      %add3A_333 = arith.addi %add3A_331, %add3A_332 : i32
      %sub3A_334 = arith.constant 1 : i32
      %sub3A_335 = arith.subi %add3A_333, %sub3A_334 : i32
      %min3A_336 = arith.constant 127 : i32
      %min3A_337 = arith.minsi %sub3A_335, %min3A_336 : i32
      %dma_start3A_338 = arith.constant 0 : i32
      %dma_start3A_339 = arith.constant 0 : i32
      %dma_start3A_340 = arith.constant 0 : i32
      %dma_start3A_341 = arith.constant 0 : i32
      %dma_start3A_342 = tpu.memref_slice %arg6[%dma_start3A_338, %dma_start3A_340, %dma_start3A_341] : memref<8x50x128xf32, #tpu.memory_space<vmem>> -> memref<1x50x128xf32, #tpu.memory_space<vmem>>
      %dma_start3A_343 = tpu.memref_squeeze %dma_start3A_342 : memref<1x50x128xf32, #tpu.memory_space<vmem>> -> memref<50x128xf32, #tpu.memory_space<vmem>>
      %dma_start3A_344 = arith.constant 0 : i32
      %dma_start3A_345 = tpu.memref_slice %arg5[%min3A_337, %dma_start3A_344] : memref<128x128xi32, #tpu.memory_space<vmem>> -> memref<1x50xi32, #tpu.memory_space<vmem>>
      %dma_start3A_346 = tpu.memref_squeeze %dma_start3A_345 : memref<1x50xi32, #tpu.memory_space<vmem>> -> memref<50xi32, #tpu.memory_space<vmem>>
      %dma_start3A_347 = arith.constant 0 : i32
      %dma_start3A_348 = arith.constant 0 : i32
      %dma_start3A_349 = tpu.memref_slice %arg3[%dma_start3A_347, %dma_start3A_348] : memref<100000x128xf32, #tpu.memory_space<hbm>> -> memref<100000x128xf32, #tpu.memory_space<hbm>>
      %dma_start3A_350 = tpu.memref_slice %arg8[%dma_start3A_339] : memref<8x!tpu.dma_semaphore, #tpu.memory_space<semaphore_mem>> -> memref<1x!tpu.dma_semaphore, #tpu.memory_space<semaphore_mem>>
      %dma_start3A_351 = tpu.memref_squeeze %dma_start3A_350 : memref<1x!tpu.dma_semaphore, #tpu.memory_space<semaphore_mem>> -> memref<!tpu.dma_semaphore, #tpu.memory_space<semaphore_mem>>
      tpu.enqueue_indirect_dma source(%dma_start3A_349 : memref<100000x128xf32, #tpu.memory_space<hbm>>) target(%dma_start3A_343 : memref<50x128xf32, #tpu.memory_space<vmem>>) offsets(%dma_start3A_346 : memref<50xi32, #tpu.memory_space<vmem>>) semaphore(%dma_start3A_351 : memref<!tpu.dma_semaphore, #tpu.memory_space<semaphore_mem>>)
      %dma_wait3A_352 = arith.constant 0 : i32
      %dma_wait3A_353 = arith.constant 1 : i32
      %dma_wait3A_354 = arith.constant 1 : i32
      %dma_wait3A_355 = arith.constant 0 : i32
      %dma_wait3A_356 = arith.constant 0 : i32
      %dma_wait3A_357 = tpu.memref_slice %arg6[%dma_wait3A_353, %dma_wait3A_355, %dma_wait3A_356] : memref<8x50x128xf32, #tpu.memory_space<vmem>> -> memref<1x50x128xf32, #tpu.memory_space<vmem>>
      %dma_wait3A_358 = tpu.memref_squeeze %dma_wait3A_357 : memref<1x50x128xf32, #tpu.memory_space<vmem>> -> memref<50x128xf32, #tpu.memory_space<vmem>>
      %dma_wait3A_359 = arith.constant 0 : i32
      %dma_wait3A_360 = tpu.memref_slice %arg5[%dma_wait3A_352, %dma_wait3A_359] : memref<128x128xi32, #tpu.memory_space<vmem>> -> memref<1x50xi32, #tpu.memory_space<vmem>>
      %dma_wait3A_361 = tpu.memref_squeeze %dma_wait3A_360 : memref<1x50xi32, #tpu.memory_space<vmem>> -> memref<50xi32, #tpu.memory_space<vmem>>
      %dma_wait3A_362 = arith.constant 0 : i32
      %dma_wait3A_363 = arith.constant 0 : i32
      %dma_wait3A_364 = tpu.memref_slice %arg3[%dma_wait3A_362, %dma_wait3A_363] : memref<100000x128xf32, #tpu.memory_space<hbm>> -> memref<100000x128xf32, #tpu.memory_space<hbm>>
      %dma_wait3A_365 = tpu.memref_slice %arg8[%dma_wait3A_354] : memref<8x!tpu.dma_semaphore, #tpu.memory_space<semaphore_mem>> -> memref<1x!tpu.dma_semaphore, #tpu.memory_space<semaphore_mem>>
      %dma_wait3A_366 = tpu.memref_squeeze %dma_wait3A_365 : memref<1x!tpu.dma_semaphore, #tpu.memory_space<semaphore_mem>> -> memref<!tpu.dma_semaphore, #tpu.memory_space<semaphore_mem>>
      tpu.wait_indirect_dma semaphore(%dma_wait3A_366 : memref<!tpu.dma_semaphore, #tpu.memory_space<semaphore_mem>>) src(%dma_wait3A_364 : memref<100000x128xf32, #tpu.memory_space<hbm>>) dst(%dma_wait3A_358 : memref<50x128xf32, #tpu.memory_space<vmem>>)
      %add3A_367 = arith.constant 1 : i32
      %add3A_368 = arith.addi %mul3A_231, %add3A_367 : i32
      %broadcast_in_dim3A_369 = arith.constant 0.000000e+00 : f32
      %broadcast_in_dim3A_370 = vector.broadcast %broadcast_in_dim3A_369 : f32 to vector<16xf32>
      %broadcast_in_dim3A_371 = arith.constant 0.000000e+00 : f32
      %broadcast_in_dim3A_372 = vector.broadcast %broadcast_in_dim3A_371 : f32 to vector<16xf32>
      %broadcast_in_dim3A_373 = arith.constant 0.000000e+00 : f32
      %broadcast_in_dim3A_374 = vector.broadcast %broadcast_in_dim3A_373 : f32 to vector<16xf32>
      %broadcast_in_dim3A_375 = arith.constant 0.000000e+00 : f32
      %broadcast_in_dim3A_376 = vector.broadcast %broadcast_in_dim3A_375 : f32 to vector<16xf32>
      %broadcast_in_dim3A_377 = arith.constant 0.000000e+00 : f32
      %broadcast_in_dim3A_378 = vector.broadcast %broadcast_in_dim3A_377 : f32 to vector<16xf32>
      %broadcast_in_dim3A_379 = arith.constant 0.000000e+00 : f32
      %broadcast_in_dim3A_380 = vector.broadcast %broadcast_in_dim3A_379 : f32 to vector<16xf32>
      %broadcast_in_dim3A_381 = arith.constant 0.000000e+00 : f32
      %broadcast_in_dim3A_382 = vector.broadcast %broadcast_in_dim3A_381 : f32 to vector<16xf32>
      %broadcast_in_dim3A_383 = arith.constant 0.000000e+00 : f32
      %broadcast_in_dim3A_384 = vector.broadcast %broadcast_in_dim3A_383 : f32 to vector<16xf32>
      %scan3A_385 = arith.constant 0 : i32
      %scan3A_386 = arith.constant 50 : i32
      %scan3A_387 = arith.addi %scan3A_385, %scan3A_386 : i32
      %scan3A_388 = arith.constant 1 : i32
      %scan3A_389:8 = scf.for %scan3A_1037 = %scan3A_385 to %scan3A_387 step %scan3A_388 iter_args(%scan3A_1038 = %broadcast_in_dim3A_370, %scan3A_1039 = %broadcast_in_dim3A_372, %scan3A_1040 = %broadcast_in_dim3A_374, %scan3A_1041 = %broadcast_in_dim3A_376, %scan3A_1042 = %broadcast_in_dim3A_378, %scan3A_1043 = %broadcast_in_dim3A_380, %scan3A_1044 = %broadcast_in_dim3A_382, %scan3A_1045 = %broadcast_in_dim3A_384) -> (vector<16xf32>, vector<16xf32>, vector<16xf32>, vector<16xf32>, vector<16xf32>, vector<16xf32>, vector<16xf32>, vector<16xf32>)  : i32 {
        %get3A = arith.constant 1 : i32
        %get3A_1046 = arith.index_cast %get3A : i32 to index
        %get3A_1047 = arith.index_cast %scan3A_1037 : i32 to index
        %get3A_1048 = arith.constant 0 : index
        %get3A_1049 = tpu.vector_load %arg6[%get3A_1046, %get3A_1047, %get3A_1048] {strides = array<i32>} : memref<8x50x128xf32, #tpu.memory_space<vmem>>, vector<1x1x16xf32>,
        %get3A_1050 = vector.shape_cast %get3A_1049 : vector<1x1x16xf32> to vector<16xf32>
        %add3A_1051 = arith.addf %scan3A_1038, %get3A_1050 : vector<16xf32>
        %get3A_1052 = arith.constant 1 : i32
        %get3A_1053 = arith.index_cast %get3A_1052 : i32 to index
        %get3A_1054 = arith.index_cast %scan3A_1037 : i32 to index
        %get3A_1055 = arith.constant 16 : index
        %get3A_1056 = tpu.vector_load %arg6[%get3A_1053, %get3A_1054, %get3A_1055] {strides = array<i32>} : memref<8x50x128xf32, #tpu.memory_space<vmem>>, vector<1x1x16xf32>,
        %get3A_1057 = vector.shape_cast %get3A_1056 : vector<1x1x16xf32> to vector<16xf32>
        %add3A_1058 = arith.addf %scan3A_1039, %get3A_1057 : vector<16xf32>
        %get3A_1059 = arith.constant 1 : i32
        %get3A_1060 = arith.index_cast %get3A_1059 : i32 to index
        %get3A_1061 = arith.index_cast %scan3A_1037 : i32 to index
        %get3A_1062 = arith.constant 32 : index
        %get3A_1063 = tpu.vector_load %arg6[%get3A_1060, %get3A_1061, %get3A_1062] {strides = array<i32>} : memref<8x50x128xf32, #tpu.memory_space<vmem>>, vector<1x1x16xf32>,
        %get3A_1064 = vector.shape_cast %get3A_1063 : vector<1x1x16xf32> to vector<16xf32>
        %add3A_1065 = arith.addf %scan3A_1040, %get3A_1064 : vector<16xf32>
        %get3A_1066 = arith.constant 1 : i32
        %get3A_1067 = arith.index_cast %get3A_1066 : i32 to index
        %get3A_1068 = arith.index_cast %scan3A_1037 : i32 to index
        %get3A_1069 = arith.constant 48 : index
        %get3A_1070 = tpu.vector_load %arg6[%get3A_1067, %get3A_1068, %get3A_1069] {strides = array<i32>} : memref<8x50x128xf32, #tpu.memory_space<vmem>>, vector<1x1x16xf32>,
        %get3A_1071 = vector.shape_cast %get3A_1070 : vector<1x1x16xf32> to vector<16xf32>
        %add3A_1072 = arith.addf %scan3A_1041, %get3A_1071 : vector<16xf32>
        %get3A_1073 = arith.constant 1 : i32
        %get3A_1074 = arith.index_cast %get3A_1073 : i32 to index
        %get3A_1075 = arith.index_cast %scan3A_1037 : i32 to index
        %get3A_1076 = arith.constant 64 : index
        %get3A_1077 = tpu.vector_load %arg6[%get3A_1074, %get3A_1075, %get3A_1076] {strides = array<i32>} : memref<8x50x128xf32, #tpu.memory_space<vmem>>, vector<1x1x16xf32>,
        %get3A_1078 = vector.shape_cast %get3A_1077 : vector<1x1x16xf32> to vector<16xf32>
        %add3A_1079 = arith.addf %scan3A_1042, %get3A_1078 : vector<16xf32>
        %get3A_1080 = arith.constant 1 : i32
        %get3A_1081 = arith.index_cast %get3A_1080 : i32 to index
        %get3A_1082 = arith.index_cast %scan3A_1037 : i32 to index
        %get3A_1083 = arith.constant 80 : index
        %get3A_1084 = tpu.vector_load %arg6[%get3A_1081, %get3A_1082, %get3A_1083] {strides = array<i32>} : memref<8x50x128xf32, #tpu.memory_space<vmem>>, vector<1x1x16xf32>,
        %get3A_1085 = vector.shape_cast %get3A_1084 : vector<1x1x16xf32> to vector<16xf32>
        %add3A_1086 = arith.addf %scan3A_1043, %get3A_1085 : vector<16xf32>
        %get3A_1087 = arith.constant 1 : i32
        %get3A_1088 = arith.index_cast %get3A_1087 : i32 to index
        %get3A_1089 = arith.index_cast %scan3A_1037 : i32 to index
        %get3A_1090 = arith.constant 96 : index
        %get3A_1091 = tpu.vector_load %arg6[%get3A_1088, %get3A_1089, %get3A_1090] {strides = array<i32>} : memref<8x50x128xf32, #tpu.memory_space<vmem>>, vector<1x1x16xf32>,
        %get3A_1092 = vector.shape_cast %get3A_1091 : vector<1x1x16xf32> to vector<16xf32>
        %add3A_1093 = arith.addf %scan3A_1044, %get3A_1092 : vector<16xf32>
        %get3A_1094 = arith.constant 1 : i32
        %get3A_1095 = arith.index_cast %get3A_1094 : i32 to index
        %get3A_1096 = arith.index_cast %scan3A_1037 : i32 to index
        %get3A_1097 = arith.constant 112 : index
        %get3A_1098 = tpu.vector_load %arg6[%get3A_1095, %get3A_1096, %get3A_1097] {strides = array<i32>} : memref<8x50x128xf32, #tpu.memory_space<vmem>>, vector<1x1x16xf32>,
        %get3A_1099 = vector.shape_cast %get3A_1098 : vector<1x1x16xf32> to vector<16xf32>
        %add3A_1100 = arith.addf %scan3A_1045, %get3A_1099 : vector<16xf32>
        scf.yield %add3A_1051, %add3A_1058, %add3A_1065, %add3A_1072, %add3A_1079, %add3A_1086, %add3A_1093, %add3A_1100 : vector<16xf32>, vector<16xf32>, vector<16xf32>, vector<16xf32>, vector<16xf32>, vector<16xf32>, vector<16xf32>, vector<16xf32>
      }
      %scan3A_390 = arith.constant 50 : i32
      %swap3A_391 = arith.index_cast %add3A_368 : i32 to index
      %swap3A_392 = arith.constant 0 : index
      %swap3A_393 = tpu.vector_load %arg7[%swap3A_391, %swap3A_392] {strides = array<i32>} : memref<128x128xf32, #tpu.memory_space<vmem>>, vector<1x16xf32>,
      %swap3A_394 = vector.shape_cast %swap3A_393 : vector<1x16xf32> to vector<16xf32>
      %swap3A_395 = vector.shape_cast %scan3A_389#0 : vector<16xf32> to vector<1x16xf32>
      tpu.vector_store %arg7[%swap3A_391, %swap3A_392], %swap3A_395 {strides = array<i32>} : memref<128x128xf32, #tpu.memory_space<vmem>>, vector<1x16xf32>,
      %swap3A_396 = arith.index_cast %add3A_368 : i32 to index
      %swap3A_397 = arith.constant 16 : index
      %swap3A_398 = tpu.vector_load %arg7[%swap3A_396, %swap3A_397] {strides = array<i32>} : memref<128x128xf32, #tpu.memory_space<vmem>>, vector<1x16xf32>,
      %swap3A_399 = vector.shape_cast %swap3A_398 : vector<1x16xf32> to vector<16xf32>
      %swap3A_400 = vector.shape_cast %scan3A_389#1 : vector<16xf32> to vector<1x16xf32>
      tpu.vector_store %arg7[%swap3A_396, %swap3A_397], %swap3A_400 {strides = array<i32>} : memref<128x128xf32, #tpu.memory_space<vmem>>, vector<1x16xf32>,
      %swap3A_401 = arith.index_cast %add3A_368 : i32 to index
      %swap3A_402 = arith.constant 32 : index
      %swap3A_403 = tpu.vector_load %arg7[%swap3A_401, %swap3A_402] {strides = array<i32>} : memref<128x128xf32, #tpu.memory_space<vmem>>, vector<1x16xf32>,
      %swap3A_404 = vector.shape_cast %swap3A_403 : vector<1x16xf32> to vector<16xf32>
      %swap3A_405 = vector.shape_cast %scan3A_389#2 : vector<16xf32> to vector<1x16xf32>
      tpu.vector_store %arg7[%swap3A_401, %swap3A_402], %swap3A_405 {strides = array<i32>} : memref<128x128xf32, #tpu.memory_space<vmem>>, vector<1x16xf32>,
      %swap3A_406 = arith.index_cast %add3A_368 : i32 to index
      %swap3A_407 = arith.constant 48 : index
      %swap3A_408 = tpu.vector_load %arg7[%swap3A_406, %swap3A_407] {strides = array<i32>} : memref<128x128xf32, #tpu.memory_space<vmem>>, vector<1x16xf32>,
      %swap3A_409 = vector.shape_cast %swap3A_408 : vector<1x16xf32> to vector<16xf32>
      %swap3A_410 = vector.shape_cast %scan3A_389#3 : vector<16xf32> to vector<1x16xf32>
      tpu.vector_store %arg7[%swap3A_406, %swap3A_407], %swap3A_410 {strides = array<i32>} : memref<128x128xf32, #tpu.memory_space<vmem>>, vector<1x16xf32>,
      %swap3A_411 = arith.index_cast %add3A_368 : i32 to index
      %swap3A_412 = arith.constant 64 : index
      %swap3A_413 = tpu.vector_load %arg7[%swap3A_411, %swap3A_412] {strides = array<i32>} : memref<128x128xf32, #tpu.memory_space<vmem>>, vector<1x16xf32>,
      %swap3A_414 = vector.shape_cast %swap3A_413 : vector<1x16xf32> to vector<16xf32>
      %swap3A_415 = vector.shape_cast %scan3A_389#4 : vector<16xf32> to vector<1x16xf32>
      tpu.vector_store %arg7[%swap3A_411, %swap3A_412], %swap3A_415 {strides = array<i32>} : memref<128x128xf32, #tpu.memory_space<vmem>>, vector<1x16xf32>,
      %swap3A_416 = arith.index_cast %add3A_368 : i32 to index
      %swap3A_417 = arith.constant 80 : index
      %swap3A_418 = tpu.vector_load %arg7[%swap3A_416, %swap3A_417] {strides = array<i32>} : memref<128x128xf32, #tpu.memory_space<vmem>>, vector<1x16xf32>,
      %swap3A_419 = vector.shape_cast %swap3A_418 : vector<1x16xf32> to vector<16xf32>
      %swap3A_420 = vector.shape_cast %scan3A_389#5 : vector<16xf32> to vector<1x16xf32>
      tpu.vector_store %arg7[%swap3A_416, %swap3A_417], %swap3A_420 {strides = array<i32>} : memref<128x128xf32, #tpu.memory_space<vmem>>, vector<1x16xf32>,
      %swap3A_421 = arith.index_cast %add3A_368 : i32 to index
      %swap3A_422 = arith.constant 96 : index
      %swap3A_423 = tpu.vector_load %arg7[%swap3A_421, %swap3A_422] {strides = array<i32>} : memref<128x128xf32, #tpu.memory_space<vmem>>, vector<1x16xf32>,
      %swap3A_424 = vector.shape_cast %swap3A_423 : vector<1x16xf32> to vector<16xf32>
      %swap3A_425 = vector.shape_cast %scan3A_389#6 : vector<16xf32> to vector<1x16xf32>
      tpu.vector_store %arg7[%swap3A_421, %swap3A_422], %swap3A_425 {strides = array<i32>} : memref<128x128xf32, #tpu.memory_space<vmem>>, vector<1x16xf32>,
      %swap3A_426 = arith.index_cast %add3A_368 : i32 to index
      %swap3A_427 = arith.constant 112 : index
      %swap3A_428 = tpu.vector_load %arg7[%swap3A_426, %swap3A_427] {strides = array<i32>} : memref<128x128xf32, #tpu.memory_space<vmem>>, vector<1x16xf32>,
      %swap3A_429 = vector.shape_cast %swap3A_428 : vector<1x16xf32> to vector<16xf32>
      %swap3A_430 = vector.shape_cast %scan3A_389#7 : vector<16xf32> to vector<1x16xf32>
      tpu.vector_store %arg7[%swap3A_426, %swap3A_427], %swap3A_430 {strides = array<i32>} : memref<128x128xf32, #tpu.memory_space<vmem>>, vector<1x16xf32>,
      %add3A_431 = arith.constant 2 : i32
      %add3A_432 = arith.addi %mul3A_231, %add3A_431 : i32
      %add3A_433 = arith.constant 8 : i32
      %add3A_434 = arith.addi %add3A_432, %add3A_433 : i32
      %sub3A_435 = arith.constant 1 : i32
      %sub3A_436 = arith.subi %add3A_434, %sub3A_435 : i32
      %min3A_437 = arith.constant 127 : i32
      %min3A_438 = arith.minsi %sub3A_436, %min3A_437 : i32
      %dma_start3A_439 = arith.constant 1 : i32
      %dma_start3A_440 = arith.constant 1 : i32
      %dma_start3A_441 = arith.constant 0 : i32
      %dma_start3A_442 = arith.constant 0 : i32
      %dma_start3A_443 = tpu.memref_slice %arg6[%dma_start3A_439, %dma_start3A_441, %dma_start3A_442] : memref<8x50x128xf32, #tpu.memory_space<vmem>> -> memref<1x50x128xf32, #tpu.memory_space<vmem>>
      %dma_start3A_444 = tpu.memref_squeeze %dma_start3A_443 : memref<1x50x128xf32, #tpu.memory_space<vmem>> -> memref<50x128xf32, #tpu.memory_space<vmem>>
      %dma_start3A_445 = arith.constant 0 : i32
      %dma_start3A_446 = tpu.memref_slice %arg5[%min3A_438, %dma_start3A_445] : memref<128x128xi32, #tpu.memory_space<vmem>> -> memref<1x50xi32, #tpu.memory_space<vmem>>
      %dma_start3A_447 = tpu.memref_squeeze %dma_start3A_446 : memref<1x50xi32, #tpu.memory_space<vmem>> -> memref<50xi32, #tpu.memory_space<vmem>>
      %dma_start3A_448 = arith.constant 0 : i32
      %dma_start3A_449 = arith.constant 0 : i32
      %dma_start3A_450 = tpu.memref_slice %arg3[%dma_start3A_448, %dma_start3A_449] : memref<100000x128xf32, #tpu.memory_space<hbm>> -> memref<100000x128xf32, #tpu.memory_space<hbm>>
      %dma_start3A_451 = tpu.memref_slice %arg8[%dma_start3A_440] : memref<8x!tpu.dma_semaphore, #tpu.memory_space<semaphore_mem>> -> memref<1x!tpu.dma_semaphore, #tpu.memory_space<semaphore_mem>>
      %dma_start3A_452 = tpu.memref_squeeze %dma_start3A_451 : memref<1x!tpu.dma_semaphore, #tpu.memory_space<semaphore_mem>> -> memref<!tpu.dma_semaphore, #tpu.memory_space<semaphore_mem>>
      tpu.enqueue_indirect_dma source(%dma_start3A_450 : memref<100000x128xf32, #tpu.memory_space<hbm>>) target(%dma_start3A_444 : memref<50x128xf32, #tpu.memory_space<vmem>>) offsets(%dma_start3A_447 : memref<50xi32, #tpu.memory_space<vmem>>) semaphore(%dma_start3A_452 : memref<!tpu.dma_semaphore, #tpu.memory_space<semaphore_mem>>)
      %dma_wait3A_453 = arith.constant 0 : i32
      %dma_wait3A_454 = arith.constant 2 : i32
      %dma_wait3A_455 = arith.constant 2 : i32
      %dma_wait3A_456 = arith.constant 0 : i32
      %dma_wait3A_457 = arith.constant 0 : i32
      %dma_wait3A_458 = tpu.memref_slice %arg6[%dma_wait3A_454, %dma_wait3A_456, %dma_wait3A_457] : memref<8x50x128xf32, #tpu.memory_space<vmem>> -> memref<1x50x128xf32, #tpu.memory_space<vmem>>
      %dma_wait3A_459 = tpu.memref_squeeze %dma_wait3A_458 : memref<1x50x128xf32, #tpu.memory_space<vmem>> -> memref<50x128xf32, #tpu.memory_space<vmem>>
      %dma_wait3A_460 = arith.constant 0 : i32
      %dma_wait3A_461 = tpu.memref_slice %arg5[%dma_wait3A_453, %dma_wait3A_460] : memref<128x128xi32, #tpu.memory_space<vmem>> -> memref<1x50xi32, #tpu.memory_space<vmem>>
      %dma_wait3A_462 = tpu.memref_squeeze %dma_wait3A_461 : memref<1x50xi32, #tpu.memory_space<vmem>> -> memref<50xi32, #tpu.memory_space<vmem>>
      %dma_wait3A_463 = arith.constant 0 : i32
      %dma_wait3A_464 = arith.constant 0 : i32
      %dma_wait3A_465 = tpu.memref_slice %arg3[%dma_wait3A_463, %dma_wait3A_464] : memref<100000x128xf32, #tpu.memory_space<hbm>> -> memref<100000x128xf32, #tpu.memory_space<hbm>>
      %dma_wait3A_466 = tpu.memref_slice %arg8[%dma_wait3A_455] : memref<8x!tpu.dma_semaphore, #tpu.memory_space<semaphore_mem>> -> memref<1x!tpu.dma_semaphore, #tpu.memory_space<semaphore_mem>>
      %dma_wait3A_467 = tpu.memref_squeeze %dma_wait3A_466 : memref<1x!tpu.dma_semaphore, #tpu.memory_space<semaphore_mem>> -> memref<!tpu.dma_semaphore, #tpu.memory_space<semaphore_mem>>
      tpu.wait_indirect_dma semaphore(%dma_wait3A_467 : memref<!tpu.dma_semaphore, #tpu.memory_space<semaphore_mem>>) src(%dma_wait3A_465 : memref<100000x128xf32, #tpu.memory_space<hbm>>) dst(%dma_wait3A_459 : memref<50x128xf32, #tpu.memory_space<vmem>>)
      %add3A_468 = arith.constant 2 : i32
      %add3A_469 = arith.addi %mul3A_231, %add3A_468 : i32
      %broadcast_in_dim3A_470 = arith.constant 0.000000e+00 : f32
      %broadcast_in_dim3A_471 = vector.broadcast %broadcast_in_dim3A_470 : f32 to vector<16xf32>
      %broadcast_in_dim3A_472 = arith.constant 0.000000e+00 : f32
      %broadcast_in_dim3A_473 = vector.broadcast %broadcast_in_dim3A_472 : f32 to vector<16xf32>
      %broadcast_in_dim3A_474 = arith.constant 0.000000e+00 : f32
      %broadcast_in_dim3A_475 = vector.broadcast %broadcast_in_dim3A_474 : f32 to vector<16xf32>
      %broadcast_in_dim3A_476 = arith.constant 0.000000e+00 : f32
      %broadcast_in_dim3A_477 = vector.broadcast %broadcast_in_dim3A_476 : f32 to vector<16xf32>
      %broadcast_in_dim3A_478 = arith.constant 0.000000e+00 : f32
      %broadcast_in_dim3A_479 = vector.broadcast %broadcast_in_dim3A_478 : f32 to vector<16xf32>
      %broadcast_in_dim3A_480 = arith.constant 0.000000e+00 : f32
      %broadcast_in_dim3A_481 = vector.broadcast %broadcast_in_dim3A_480 : f32 to vector<16xf32>
      %broadcast_in_dim3A_482 = arith.constant 0.000000e+00 : f32
      %broadcast_in_dim3A_483 = vector.broadcast %broadcast_in_dim3A_482 : f32 to vector<16xf32>
      %broadcast_in_dim3A_484 = arith.constant 0.000000e+00 : f32
      %broadcast_in_dim3A_485 = vector.broadcast %broadcast_in_dim3A_484 : f32 to vector<16xf32>
      %scan3A_486 = arith.constant 0 : i32
      %scan3A_487 = arith.constant 50 : i32
      %scan3A_488 = arith.addi %scan3A_486, %scan3A_487 : i32
      %scan3A_489 = arith.constant 1 : i32
      %scan3A_490:8 = scf.for %scan3A_1037 = %scan3A_486 to %scan3A_488 step %scan3A_489 iter_args(%scan3A_1038 = %broadcast_in_dim3A_471, %scan3A_1039 = %broadcast_in_dim3A_473, %scan3A_1040 = %broadcast_in_dim3A_475, %scan3A_1041 = %broadcast_in_dim3A_477, %scan3A_1042 = %broadcast_in_dim3A_479, %scan3A_1043 = %broadcast_in_dim3A_481, %scan3A_1044 = %broadcast_in_dim3A_483, %scan3A_1045 = %broadcast_in_dim3A_485) -> (vector<16xf32>, vector<16xf32>, vector<16xf32>, vector<16xf32>, vector<16xf32>, vector<16xf32>, vector<16xf32>, vector<16xf32>)  : i32 {
        %get3A = arith.constant 2 : i32
        %get3A_1046 = arith.index_cast %get3A : i32 to index
        %get3A_1047 = arith.index_cast %scan3A_1037 : i32 to index
        %get3A_1048 = arith.constant 0 : index
        %get3A_1049 = tpu.vector_load %arg6[%get3A_1046, %get3A_1047, %get3A_1048] {strides = array<i32>} : memref<8x50x128xf32, #tpu.memory_space<vmem>>, vector<1x1x16xf32>,
        %get3A_1050 = vector.shape_cast %get3A_1049 : vector<1x1x16xf32> to vector<16xf32>
        %add3A_1051 = arith.addf %scan3A_1038, %get3A_1050 : vector<16xf32>
        %get3A_1052 = arith.constant 2 : i32
        %get3A_1053 = arith.index_cast %get3A_1052 : i32 to index
        %get3A_1054 = arith.index_cast %scan3A_1037 : i32 to index
        %get3A_1055 = arith.constant 16 : index
        %get3A_1056 = tpu.vector_load %arg6[%get3A_1053, %get3A_1054, %get3A_1055] {strides = array<i32>} : memref<8x50x128xf32, #tpu.memory_space<vmem>>, vector<1x1x16xf32>,
        %get3A_1057 = vector.shape_cast %get3A_1056 : vector<1x1x16xf32> to vector<16xf32>
        %add3A_1058 = arith.addf %scan3A_1039, %get3A_1057 : vector<16xf32>
        %get3A_1059 = arith.constant 2 : i32
        %get3A_1060 = arith.index_cast %get3A_1059 : i32 to index
        %get3A_1061 = arith.index_cast %scan3A_1037 : i32 to index
        %get3A_1062 = arith.constant 32 : index
        %get3A_1063 = tpu.vector_load %arg6[%get3A_1060, %get3A_1061, %get3A_1062] {strides = array<i32>} : memref<8x50x128xf32, #tpu.memory_space<vmem>>, vector<1x1x16xf32>,
        %get3A_1064 = vector.shape_cast %get3A_1063 : vector<1x1x16xf32> to vector<16xf32>
        %add3A_1065 = arith.addf %scan3A_1040, %get3A_1064 : vector<16xf32>
        %get3A_1066 = arith.constant 2 : i32
        %get3A_1067 = arith.index_cast %get3A_1066 : i32 to index
        %get3A_1068 = arith.index_cast %scan3A_1037 : i32 to index
        %get3A_1069 = arith.constant 48 : index
        %get3A_1070 = tpu.vector_load %arg6[%get3A_1067, %get3A_1068, %get3A_1069] {strides = array<i32>} : memref<8x50x128xf32, #tpu.memory_space<vmem>>, vector<1x1x16xf32>,
        %get3A_1071 = vector.shape_cast %get3A_1070 : vector<1x1x16xf32> to vector<16xf32>
        %add3A_1072 = arith.addf %scan3A_1041, %get3A_1071 : vector<16xf32>
        %get3A_1073 = arith.constant 2 : i32
        %get3A_1074 = arith.index_cast %get3A_1073 : i32 to index
        %get3A_1075 = arith.index_cast %scan3A_1037 : i32 to index
        %get3A_1076 = arith.constant 64 : index
        %get3A_1077 = tpu.vector_load %arg6[%get3A_1074, %get3A_1075, %get3A_1076] {strides = array<i32>} : memref<8x50x128xf32, #tpu.memory_space<vmem>>, vector<1x1x16xf32>,
        %get3A_1078 = vector.shape_cast %get3A_1077 : vector<1x1x16xf32> to vector<16xf32>
        %add3A_1079 = arith.addf %scan3A_1042, %get3A_1078 : vector<16xf32>
        %get3A_1080 = arith.constant 2 : i32
        %get3A_1081 = arith.index_cast %get3A_1080 : i32 to index
        %get3A_1082 = arith.index_cast %scan3A_1037 : i32 to index
        %get3A_1083 = arith.constant 80 : index
        %get3A_1084 = tpu.vector_load %arg6[%get3A_1081, %get3A_1082, %get3A_1083] {strides = array<i32>} : memref<8x50x128xf32, #tpu.memory_space<vmem>>, vector<1x1x16xf32>,
        %get3A_1085 = vector.shape_cast %get3A_1084 : vector<1x1x16xf32> to vector<16xf32>
        %add3A_1086 = arith.addf %scan3A_1043, %get3A_1085 : vector<16xf32>
        %get3A_1087 = arith.constant 2 : i32
        %get3A_1088 = arith.index_cast %get3A_1087 : i32 to index
        %get3A_1089 = arith.index_cast %scan3A_1037 : i32 to index
        %get3A_1090 = arith.constant 96 : index
        %get3A_1091 = tpu.vector_load %arg6[%get3A_1088, %get3A_1089, %get3A_1090] {strides = array<i32>} : memref<8x50x128xf32, #tpu.memory_space<vmem>>, vector<1x1x16xf32>,
        %get3A_1092 = vector.shape_cast %get3A_1091 : vector<1x1x16xf32> to vector<16xf32>
        %add3A_1093 = arith.addf %scan3A_1044, %get3A_1092 : vector<16xf32>
        %get3A_1094 = arith.constant 2 : i32
        %get3A_1095 = arith.index_cast %get3A_1094 : i32 to index
        %get3A_1096 = arith.index_cast %scan3A_1037 : i32 to index
        %get3A_1097 = arith.constant 112 : index
        %get3A_1098 = tpu.vector_load %arg6[%get3A_1095, %get3A_1096, %get3A_1097] {strides = array<i32>} : memref<8x50x128xf32, #tpu.memory_space<vmem>>, vector<1x1x16xf32>,
        %get3A_1099 = vector.shape_cast %get3A_1098 : vector<1x1x16xf32> to vector<16xf32>
        %add3A_1100 = arith.addf %scan3A_1045, %get3A_1099 : vector<16xf32>
        scf.yield %add3A_1051, %add3A_1058, %add3A_1065, %add3A_1072, %add3A_1079, %add3A_1086, %add3A_1093, %add3A_1100 : vector<16xf32>, vector<16xf32>, vector<16xf32>, vector<16xf32>, vector<16xf32>, vector<16xf32>, vector<16xf32>, vector<16xf32>
      }
      %scan3A_491 = arith.constant 50 : i32
      %swap3A_492 = arith.index_cast %add3A_469 : i32 to index
      %swap3A_493 = arith.constant 0 : index
      %swap3A_494 = tpu.vector_load %arg7[%swap3A_492, %swap3A_493] {strides = array<i32>} : memref<128x128xf32, #tpu.memory_space<vmem>>, vector<1x16xf32>,
      %swap3A_495 = vector.shape_cast %swap3A_494 : vector<1x16xf32> to vector<16xf32>
      %swap3A_496 = vector.shape_cast %scan3A_490#0 : vector<16xf32> to vector<1x16xf32>
      tpu.vector_store %arg7[%swap3A_492, %swap3A_493], %swap3A_496 {strides = array<i32>} : memref<128x128xf32, #tpu.memory_space<vmem>>, vector<1x16xf32>,
      %swap3A_497 = arith.index_cast %add3A_469 : i32 to index
      %swap3A_498 = arith.constant 16 : index
      %swap3A_499 = tpu.vector_load %arg7[%swap3A_497, %swap3A_498] {strides = array<i32>} : memref<128x128xf32, #tpu.memory_space<vmem>>, vector<1x16xf32>,
      %swap3A_500 = vector.shape_cast %swap3A_499 : vector<1x16xf32> to vector<16xf32>
      %swap3A_501 = vector.shape_cast %scan3A_490#1 : vector<16xf32> to vector<1x16xf32>
      tpu.vector_store %arg7[%swap3A_497, %swap3A_498], %swap3A_501 {strides = array<i32>} : memref<128x128xf32, #tpu.memory_space<vmem>>, vector<1x16xf32>,
      %swap3A_502 = arith.index_cast %add3A_469 : i32 to index
      %swap3A_503 = arith.constant 32 : index
      %swap3A_504 = tpu.vector_load %arg7[%swap3A_502, %swap3A_503] {strides = array<i32>} : memref<128x128xf32, #tpu.memory_space<vmem>>, vector<1x16xf32>,
      %swap3A_505 = vector.shape_cast %swap3A_504 : vector<1x16xf32> to vector<16xf32>
      %swap3A_506 = vector.shape_cast %scan3A_490#2 : vector<16xf32> to vector<1x16xf32>
      tpu.vector_store %arg7[%swap3A_502, %swap3A_503], %swap3A_506 {strides = array<i32>} : memref<128x128xf32, #tpu.memory_space<vmem>>, vector<1x16xf32>,
      %swap3A_507 = arith.index_cast %add3A_469 : i32 to index
      %swap3A_508 = arith.constant 48 : index
      %swap3A_509 = tpu.vector_load %arg7[%swap3A_507, %swap3A_508] {strides = array<i32>} : memref<128x128xf32, #tpu.memory_space<vmem>>, vector<1x16xf32>,
      %swap3A_510 = vector.shape_cast %swap3A_509 : vector<1x16xf32> to vector<16xf32>
      %swap3A_511 = vector.shape_cast %scan3A_490#3 : vector<16xf32> to vector<1x16xf32>
      tpu.vector_store %arg7[%swap3A_507, %swap3A_508], %swap3A_511 {strides = array<i32>} : memref<128x128xf32, #tpu.memory_space<vmem>>, vector<1x16xf32>,
      %swap3A_512 = arith.index_cast %add3A_469 : i32 to index
      %swap3A_513 = arith.constant 64 : index
      %swap3A_514 = tpu.vector_load %arg7[%swap3A_512, %swap3A_513] {strides = array<i32>} : memref<128x128xf32, #tpu.memory_space<vmem>>, vector<1x16xf32>,
      %swap3A_515 = vector.shape_cast %swap3A_514 : vector<1x16xf32> to vector<16xf32>
      %swap3A_516 = vector.shape_cast %scan3A_490#4 : vector<16xf32> to vector<1x16xf32>
      tpu.vector_store %arg7[%swap3A_512, %swap3A_513], %swap3A_516 {strides = array<i32>} : memref<128x128xf32, #tpu.memory_space<vmem>>, vector<1x16xf32>,
      %swap3A_517 = arith.index_cast %add3A_469 : i32 to index
      %swap3A_518 = arith.constant 80 : index
      %swap3A_519 = tpu.vector_load %arg7[%swap3A_517, %swap3A_518] {strides = array<i32>} : memref<128x128xf32, #tpu.memory_space<vmem>>, vector<1x16xf32>,
      %swap3A_520 = vector.shape_cast %swap3A_519 : vector<1x16xf32> to vector<16xf32>
      %swap3A_521 = vector.shape_cast %scan3A_490#5 : vector<16xf32> to vector<1x16xf32>
      tpu.vector_store %arg7[%swap3A_517, %swap3A_518], %swap3A_521 {strides = array<i32>} : memref<128x128xf32, #tpu.memory_space<vmem>>, vector<1x16xf32>,
      %swap3A_522 = arith.index_cast %add3A_469 : i32 to index
      %swap3A_523 = arith.constant 96 : index
      %swap3A_524 = tpu.vector_load %arg7[%swap3A_522, %swap3A_523] {strides = array<i32>} : memref<128x128xf32, #tpu.memory_space<vmem>>, vector<1x16xf32>,
      %swap3A_525 = vector.shape_cast %swap3A_524 : vector<1x16xf32> to vector<16xf32>
      %swap3A_526 = vector.shape_cast %scan3A_490#6 : vector<16xf32> to vector<1x16xf32>
      tpu.vector_store %arg7[%swap3A_522, %swap3A_523], %swap3A_526 {strides = array<i32>} : memref<128x128xf32, #tpu.memory_space<vmem>>, vector<1x16xf32>,
      %swap3A_527 = arith.index_cast %add3A_469 : i32 to index
      %swap3A_528 = arith.constant 112 : index
      %swap3A_529 = tpu.vector_load %arg7[%swap3A_527, %swap3A_528] {strides = array<i32>} : memref<128x128xf32, #tpu.memory_space<vmem>>, vector<1x16xf32>,
      %swap3A_530 = vector.shape_cast %swap3A_529 : vector<1x16xf32> to vector<16xf32>
      %swap3A_531 = vector.shape_cast %scan3A_490#7 : vector<16xf32> to vector<1x16xf32>
      tpu.vector_store %arg7[%swap3A_527, %swap3A_528], %swap3A_531 {strides = array<i32>} : memref<128x128xf32, #tpu.memory_space<vmem>>, vector<1x16xf32>,
      %add3A_532 = arith.constant 3 : i32
      %add3A_533 = arith.addi %mul3A_231, %add3A_532 : i32
      %add3A_534 = arith.constant 8 : i32
      %add3A_535 = arith.addi %add3A_533, %add3A_534 : i32
      %sub3A_536 = arith.constant 1 : i32
      %sub3A_537 = arith.subi %add3A_535, %sub3A_536 : i32
      %min3A_538 = arith.constant 127 : i32
      %min3A_539 = arith.minsi %sub3A_537, %min3A_538 : i32
      %dma_start3A_540 = arith.constant 2 : i32
      %dma_start3A_541 = arith.constant 2 : i32
      %dma_start3A_542 = arith.constant 0 : i32
      %dma_start3A_543 = arith.constant 0 : i32
      %dma_start3A_544 = tpu.memref_slice %arg6[%dma_start3A_540, %dma_start3A_542, %dma_start3A_543] : memref<8x50x128xf32, #tpu.memory_space<vmem>> -> memref<1x50x128xf32, #tpu.memory_space<vmem>>
      %dma_start3A_545 = tpu.memref_squeeze %dma_start3A_544 : memref<1x50x128xf32, #tpu.memory_space<vmem>> -> memref<50x128xf32, #tpu.memory_space<vmem>>
      %dma_start3A_546 = arith.constant 0 : i32
      %dma_start3A_547 = tpu.memref_slice %arg5[%min3A_539, %dma_start3A_546] : memref<128x128xi32, #tpu.memory_space<vmem>> -> memref<1x50xi32, #tpu.memory_space<vmem>>
      %dma_start3A_548 = tpu.memref_squeeze %dma_start3A_547 : memref<1x50xi32, #tpu.memory_space<vmem>> -> memref<50xi32, #tpu.memory_space<vmem>>
      %dma_start3A_549 = arith.constant 0 : i32
      %dma_start3A_550 = arith.constant 0 : i32
      %dma_start3A_551 = tpu.memref_slice %arg3[%dma_start3A_549, %dma_start3A_550] : memref<100000x128xf32, #tpu.memory_space<hbm>> -> memref<100000x128xf32, #tpu.memory_space<hbm>>
      %dma_start3A_552 = tpu.memref_slice %arg8[%dma_start3A_541] : memref<8x!tpu.dma_semaphore, #tpu.memory_space<semaphore_mem>> -> memref<1x!tpu.dma_semaphore, #tpu.memory_space<semaphore_mem>>
      %dma_start3A_553 = tpu.memref_squeeze %dma_start3A_552 : memref<1x!tpu.dma_semaphore, #tpu.memory_space<semaphore_mem>> -> memref<!tpu.dma_semaphore, #tpu.memory_space<semaphore_mem>>
      tpu.enqueue_indirect_dma source(%dma_start3A_551 : memref<100000x128xf32, #tpu.memory_space<hbm>>) target(%dma_start3A_545 : memref<50x128xf32, #tpu.memory_space<vmem>>) offsets(%dma_start3A_548 : memref<50xi32, #tpu.memory_space<vmem>>) semaphore(%dma_start3A_553 : memref<!tpu.dma_semaphore, #tpu.memory_space<semaphore_mem>>)
      %dma_wait3A_554 = arith.constant 0 : i32
      %dma_wait3A_555 = arith.constant 3 : i32
      %dma_wait3A_556 = arith.constant 3 : i32
      %dma_wait3A_557 = arith.constant 0 : i32
      %dma_wait3A_558 = arith.constant 0 : i32
      %dma_wait3A_559 = tpu.memref_slice %arg6[%dma_wait3A_555, %dma_wait3A_557, %dma_wait3A_558] : memref<8x50x128xf32, #tpu.memory_space<vmem>> -> memref<1x50x128xf32, #tpu.memory_space<vmem>>
      %dma_wait3A_560 = tpu.memref_squeeze %dma_wait3A_559 : memref<1x50x128xf32, #tpu.memory_space<vmem>> -> memref<50x128xf32, #tpu.memory_space<vmem>>
      %dma_wait3A_561 = arith.constant 0 : i32
      %dma_wait3A_562 = tpu.memref_slice %arg5[%dma_wait3A_554, %dma_wait3A_561] : memref<128x128xi32, #tpu.memory_space<vmem>> -> memref<1x50xi32, #tpu.memory_space<vmem>>
      %dma_wait3A_563 = tpu.memref_squeeze %dma_wait3A_562 : memref<1x50xi32, #tpu.memory_space<vmem>> -> memref<50xi32, #tpu.memory_space<vmem>>
      %dma_wait3A_564 = arith.constant 0 : i32
      %dma_wait3A_565 = arith.constant 0 : i32
      %dma_wait3A_566 = tpu.memref_slice %arg3[%dma_wait3A_564, %dma_wait3A_565] : memref<100000x128xf32, #tpu.memory_space<hbm>> -> memref<100000x128xf32, #tpu.memory_space<hbm>>
      %dma_wait3A_567 = tpu.memref_slice %arg8[%dma_wait3A_556] : memref<8x!tpu.dma_semaphore, #tpu.memory_space<semaphore_mem>> -> memref<1x!tpu.dma_semaphore, #tpu.memory_space<semaphore_mem>>
      %dma_wait3A_568 = tpu.memref_squeeze %dma_wait3A_567 : memref<1x!tpu.dma_semaphore, #tpu.memory_space<semaphore_mem>> -> memref<!tpu.dma_semaphore, #tpu.memory_space<semaphore_mem>>
      tpu.wait_indirect_dma semaphore(%dma_wait3A_568 : memref<!tpu.dma_semaphore, #tpu.memory_space<semaphore_mem>>) src(%dma_wait3A_566 : memref<100000x128xf32, #tpu.memory_space<hbm>>) dst(%dma_wait3A_560 : memref<50x128xf32, #tpu.memory_space<vmem>>)
      %add3A_569 = arith.constant 3 : i32
      %add3A_570 = arith.addi %mul3A_231, %add3A_569 : i32
      %broadcast_in_dim3A_571 = arith.constant 0.000000e+00 : f32
      %broadcast_in_dim3A_572 = vector.broadcast %broadcast_in_dim3A_571 : f32 to vector<16xf32>
      %broadcast_in_dim3A_573 = arith.constant 0.000000e+00 : f32
      %broadcast_in_dim3A_574 = vector.broadcast %broadcast_in_dim3A_573 : f32 to vector<16xf32>
      %broadcast_in_dim3A_575 = arith.constant 0.000000e+00 : f32
      %broadcast_in_dim3A_576 = vector.broadcast %broadcast_in_dim3A_575 : f32 to vector<16xf32>
      %broadcast_in_dim3A_577 = arith.constant 0.000000e+00 : f32
      %broadcast_in_dim3A_578 = vector.broadcast %broadcast_in_dim3A_577 : f32 to vector<16xf32>
      %broadcast_in_dim3A_579 = arith.constant 0.000000e+00 : f32
      %broadcast_in_dim3A_580 = vector.broadcast %broadcast_in_dim3A_579 : f32 to vector<16xf32>
      %broadcast_in_dim3A_581 = arith.constant 0.000000e+00 : f32
      %broadcast_in_dim3A_582 = vector.broadcast %broadcast_in_dim3A_581 : f32 to vector<16xf32>
      %broadcast_in_dim3A_583 = arith.constant 0.000000e+00 : f32
      %broadcast_in_dim3A_584 = vector.broadcast %broadcast_in_dim3A_583 : f32 to vector<16xf32>
      %broadcast_in_dim3A_585 = arith.constant 0.000000e+00 : f32
      %broadcast_in_dim3A_586 = vector.broadcast %broadcast_in_dim3A_585 : f32 to vector<16xf32>
      %scan3A_587 = arith.constant 0 : i32
      %scan3A_588 = arith.constant 50 : i32
      %scan3A_589 = arith.addi %scan3A_587, %scan3A_588 : i32
      %scan3A_590 = arith.constant 1 : i32
      %scan3A_591:8 = scf.for %scan3A_1037 = %scan3A_587 to %scan3A_589 step %scan3A_590 iter_args(%scan3A_1038 = %broadcast_in_dim3A_572, %scan3A_1039 = %broadcast_in_dim3A_574, %scan3A_1040 = %broadcast_in_dim3A_576, %scan3A_1041 = %broadcast_in_dim3A_578, %scan3A_1042 = %broadcast_in_dim3A_580, %scan3A_1043 = %broadcast_in_dim3A_582, %scan3A_1044 = %broadcast_in_dim3A_584, %scan3A_1045 = %broadcast_in_dim3A_586) -> (vector<16xf32>, vector<16xf32>, vector<16xf32>, vector<16xf32>, vector<16xf32>, vector<16xf32>, vector<16xf32>, vector<16xf32>)  : i32 {
        %get3A = arith.constant 3 : i32
        %get3A_1046 = arith.index_cast %get3A : i32 to index
        %get3A_1047 = arith.index_cast %scan3A_1037 : i32 to index
        %get3A_1048 = arith.constant 0 : index
        %get3A_1049 = tpu.vector_load %arg6[%get3A_1046, %get3A_1047, %get3A_1048] {strides = array<i32>} : memref<8x50x128xf32, #tpu.memory_space<vmem>>, vector<1x1x16xf32>,
        %get3A_1050 = vector.shape_cast %get3A_1049 : vector<1x1x16xf32> to vector<16xf32>
        %add3A_1051 = arith.addf %scan3A_1038, %get3A_1050 : vector<16xf32>
        %get3A_1052 = arith.constant 3 : i32
        %get3A_1053 = arith.index_cast %get3A_1052 : i32 to index
        %get3A_1054 = arith.index_cast %scan3A_1037 : i32 to index
        %get3A_1055 = arith.constant 16 : index
        %get3A_1056 = tpu.vector_load %arg6[%get3A_1053, %get3A_1054, %get3A_1055] {strides = array<i32>} : memref<8x50x128xf32, #tpu.memory_space<vmem>>, vector<1x1x16xf32>,
        %get3A_1057 = vector.shape_cast %get3A_1056 : vector<1x1x16xf32> to vector<16xf32>
        %add3A_1058 = arith.addf %scan3A_1039, %get3A_1057 : vector<16xf32>
        %get3A_1059 = arith.constant 3 : i32
        %get3A_1060 = arith.index_cast %get3A_1059 : i32 to index
        %get3A_1061 = arith.index_cast %scan3A_1037 : i32 to index
        %get3A_1062 = arith.constant 32 : index
        %get3A_1063 = tpu.vector_load %arg6[%get3A_1060, %get3A_1061, %get3A_1062] {strides = array<i32>} : memref<8x50x128xf32, #tpu.memory_space<vmem>>, vector<1x1x16xf32>,
        %get3A_1064 = vector.shape_cast %get3A_1063 : vector<1x1x16xf32> to vector<16xf32>
        %add3A_1065 = arith.addf %scan3A_1040, %get3A_1064 : vector<16xf32>
        %get3A_1066 = arith.constant 3 : i32
        %get3A_1067 = arith.index_cast %get3A_1066 : i32 to index
        %get3A_1068 = arith.index_cast %scan3A_1037 : i32 to index
        %get3A_1069 = arith.constant 48 : index
        %get3A_1070 = tpu.vector_load %arg6[%get3A_1067, %get3A_1068, %get3A_1069] {strides = array<i32>} : memref<8x50x128xf32, #tpu.memory_space<vmem>>, vector<1x1x16xf32>,
        %get3A_1071 = vector.shape_cast %get3A_1070 : vector<1x1x16xf32> to vector<16xf32>
        %add3A_1072 = arith.addf %scan3A_1041, %get3A_1071 : vector<16xf32>
        %get3A_1073 = arith.constant 3 : i32
        %get3A_1074 = arith.index_cast %get3A_1073 : i32 to index
        %get3A_1075 = arith.index_cast %scan3A_1037 : i32 to index
        %get3A_1076 = arith.constant 64 : index
        %get3A_1077 = tpu.vector_load %arg6[%get3A_1074, %get3A_1075, %get3A_1076] {strides = array<i32>} : memref<8x50x128xf32, #tpu.memory_space<vmem>>, vector<1x1x16xf32>,
        %get3A_1078 = vector.shape_cast %get3A_1077 : vector<1x1x16xf32> to vector<16xf32>
        %add3A_1079 = arith.addf %scan3A_1042, %get3A_1078 : vector<16xf32>
        %get3A_1080 = arith.constant 3 : i32
        %get3A_1081 = arith.index_cast %get3A_1080 : i32 to index
        %get3A_1082 = arith.index_cast %scan3A_1037 : i32 to index
        %get3A_1083 = arith.constant 80 : index
        %get3A_1084 = tpu.vector_load %arg6[%get3A_1081, %get3A_1082, %get3A_1083] {strides = array<i32>} : memref<8x50x128xf32, #tpu.memory_space<vmem>>, vector<1x1x16xf32>,
        %get3A_1085 = vector.shape_cast %get3A_1084 : vector<1x1x16xf32> to vector<16xf32>
        %add3A_1086 = arith.addf %scan3A_1043, %get3A_1085 : vector<16xf32>
        %get3A_1087 = arith.constant 3 : i32
        %get3A_1088 = arith.index_cast %get3A_1087 : i32 to index
        %get3A_1089 = arith.index_cast %scan3A_1037 : i32 to index
        %get3A_1090 = arith.constant 96 : index
        %get3A_1091 = tpu.vector_load %arg6[%get3A_1088, %get3A_1089, %get3A_1090] {strides = array<i32>} : memref<8x50x128xf32, #tpu.memory_space<vmem>>, vector<1x1x16xf32>,
        %get3A_1092 = vector.shape_cast %get3A_1091 : vector<1x1x16xf32> to vector<16xf32>
        %add3A_1093 = arith.addf %scan3A_1044, %get3A_1092 : vector<16xf32>
        %get3A_1094 = arith.constant 3 : i32
        %get3A_1095 = arith.index_cast %get3A_1094 : i32 to index
        %get3A_1096 = arith.index_cast %scan3A_1037 : i32 to index
        %get3A_1097 = arith.constant 112 : index
        %get3A_1098 = tpu.vector_load %arg6[%get3A_1095, %get3A_1096, %get3A_1097] {strides = array<i32>} : memref<8x50x128xf32, #tpu.memory_space<vmem>>, vector<1x1x16xf32>,
        %get3A_1099 = vector.shape_cast %get3A_1098 : vector<1x1x16xf32> to vector<16xf32>
        %add3A_1100 = arith.addf %scan3A_1045, %get3A_1099 : vector<16xf32>
        scf.yield %add3A_1051, %add3A_1058, %add3A_1065, %add3A_1072, %add3A_1079, %add3A_1086, %add3A_1093, %add3A_1100 : vector<16xf32>, vector<16xf32>, vector<16xf32>, vector<16xf32>, vector<16xf32>, vector<16xf32>, vector<16xf32>, vector<16xf32>
      }
      %scan3A_592 = arith.constant 50 : i32
      %swap3A_593 = arith.index_cast %add3A_570 : i32 to index
      %swap3A_594 = arith.constant 0 : index
      %swap3A_595 = tpu.vector_load %arg7[%swap3A_593, %swap3A_594] {strides = array<i32>} : memref<128x128xf32, #tpu.memory_space<vmem>>, vector<1x16xf32>,
      %swap3A_596 = vector.shape_cast %swap3A_595 : vector<1x16xf32> to vector<16xf32>
      %swap3A_597 = vector.shape_cast %scan3A_591#0 : vector<16xf32> to vector<1x16xf32>
      tpu.vector_store %arg7[%swap3A_593, %swap3A_594], %swap3A_597 {strides = array<i32>} : memref<128x128xf32, #tpu.memory_space<vmem>>, vector<1x16xf32>,
      %swap3A_598 = arith.index_cast %add3A_570 : i32 to index
      %swap3A_599 = arith.constant 16 : index
      %swap3A_600 = tpu.vector_load %arg7[%swap3A_598, %swap3A_599] {strides = array<i32>} : memref<128x128xf32, #tpu.memory_space<vmem>>, vector<1x16xf32>,
      %swap3A_601 = vector.shape_cast %swap3A_600 : vector<1x16xf32> to vector<16xf32>
      %swap3A_602 = vector.shape_cast %scan3A_591#1 : vector<16xf32> to vector<1x16xf32>
      tpu.vector_store %arg7[%swap3A_598, %swap3A_599], %swap3A_602 {strides = array<i32>} : memref<128x128xf32, #tpu.memory_space<vmem>>, vector<1x16xf32>,
      %swap3A_603 = arith.index_cast %add3A_570 : i32 to index
      %swap3A_604 = arith.constant 32 : index
      %swap3A_605 = tpu.vector_load %arg7[%swap3A_603, %swap3A_604] {strides = array<i32>} : memref<128x128xf32, #tpu.memory_space<vmem>>, vector<1x16xf32>,
      %swap3A_606 = vector.shape_cast %swap3A_605 : vector<1x16xf32> to vector<16xf32>
      %swap3A_607 = vector.shape_cast %scan3A_591#2 : vector<16xf32> to vector<1x16xf32>
      tpu.vector_store %arg7[%swap3A_603, %swap3A_604], %swap3A_607 {strides = array<i32>} : memref<128x128xf32, #tpu.memory_space<vmem>>, vector<1x16xf32>,
      %swap3A_608 = arith.index_cast %add3A_570 : i32 to index
      %swap3A_609 = arith.constant 48 : index
      %swap3A_610 = tpu.vector_load %arg7[%swap3A_608, %swap3A_609] {strides = array<i32>} : memref<128x128xf32, #tpu.memory_space<vmem>>, vector<1x16xf32>,
      %swap3A_611 = vector.shape_cast %swap3A_610 : vector<1x16xf32> to vector<16xf32>
      %swap3A_612 = vector.shape_cast %scan3A_591#3 : vector<16xf32> to vector<1x16xf32>
      tpu.vector_store %arg7[%swap3A_608, %swap3A_609], %swap3A_612 {strides = array<i32>} : memref<128x128xf32, #tpu.memory_space<vmem>>, vector<1x16xf32>,
      %swap3A_613 = arith.index_cast %add3A_570 : i32 to index
      %swap3A_614 = arith.constant 64 : index
      %swap3A_615 = tpu.vector_load %arg7[%swap3A_613, %swap3A_614] {strides = array<i32>} : memref<128x128xf32, #tpu.memory_space<vmem>>, vector<1x16xf32>,
      %swap3A_616 = vector.shape_cast %swap3A_615 : vector<1x16xf32> to vector<16xf32>
      %swap3A_617 = vector.shape_cast %scan3A_591#4 : vector<16xf32> to vector<1x16xf32>
      tpu.vector_store %arg7[%swap3A_613, %swap3A_614], %swap3A_617 {strides = array<i32>} : memref<128x128xf32, #tpu.memory_space<vmem>>, vector<1x16xf32>,
      %swap3A_618 = arith.index_cast %add3A_570 : i32 to index
      %swap3A_619 = arith.constant 80 : index
      %swap3A_620 = tpu.vector_load %arg7[%swap3A_618, %swap3A_619] {strides = array<i32>} : memref<128x128xf32, #tpu.memory_space<vmem>>, vector<1x16xf32>,
      %swap3A_621 = vector.shape_cast %swap3A_620 : vector<1x16xf32> to vector<16xf32>
      %swap3A_622 = vector.shape_cast %scan3A_591#5 : vector<16xf32> to vector<1x16xf32>
      tpu.vector_store %arg7[%swap3A_618, %swap3A_619], %swap3A_622 {strides = array<i32>} : memref<128x128xf32, #tpu.memory_space<vmem>>, vector<1x16xf32>,
      %swap3A_623 = arith.index_cast %add3A_570 : i32 to index
      %swap3A_624 = arith.constant 96 : index
      %swap3A_625 = tpu.vector_load %arg7[%swap3A_623, %swap3A_624] {strides = array<i32>} : memref<128x128xf32, #tpu.memory_space<vmem>>, vector<1x16xf32>,
      %swap3A_626 = vector.shape_cast %swap3A_625 : vector<1x16xf32> to vector<16xf32>
      %swap3A_627 = vector.shape_cast %scan3A_591#6 : vector<16xf32> to vector<1x16xf32>
      tpu.vector_store %arg7[%swap3A_623, %swap3A_624], %swap3A_627 {strides = array<i32>} : memref<128x128xf32, #tpu.memory_space<vmem>>, vector<1x16xf32>,
      %swap3A_628 = arith.index_cast %add3A_570 : i32 to index
      %swap3A_629 = arith.constant 112 : index
      %swap3A_630 = tpu.vector_load %arg7[%swap3A_628, %swap3A_629] {strides = array<i32>} : memref<128x128xf32, #tpu.memory_space<vmem>>, vector<1x16xf32>,
      %swap3A_631 = vector.shape_cast %swap3A_630 : vector<1x16xf32> to vector<16xf32>
      %swap3A_632 = vector.shape_cast %scan3A_591#7 : vector<16xf32> to vector<1x16xf32>
      tpu.vector_store %arg7[%swap3A_628, %swap3A_629], %swap3A_632 {strides = array<i32>} : memref<128x128xf32, #tpu.memory_space<vmem>>, vector<1x16xf32>,
      %add3A_633 = arith.constant 4 : i32
      %add3A_634 = arith.addi %mul3A_231, %add3A_633 : i32
      %add3A_635 = arith.constant 8 : i32
      %add3A_636 = arith.addi %add3A_634, %add3A_635 : i32
      %sub3A_637 = arith.constant 1 : i32
      %sub3A_638 = arith.subi %add3A_636, %sub3A_637 : i32
      %min3A_639 = arith.constant 127 : i32
      %min3A_640 = arith.minsi %sub3A_638, %min3A_639 : i32
      %dma_start3A_641 = arith.constant 3 : i32
      %dma_start3A_642 = arith.constant 3 : i32
      %dma_start3A_643 = arith.constant 0 : i32
      %dma_start3A_644 = arith.constant 0 : i32
      %dma_start3A_645 = tpu.memref_slice %arg6[%dma_start3A_641, %dma_start3A_643, %dma_start3A_644] : memref<8x50x128xf32, #tpu.memory_space<vmem>> -> memref<1x50x128xf32, #tpu.memory_space<vmem>>
      %dma_start3A_646 = tpu.memref_squeeze %dma_start3A_645 : memref<1x50x128xf32, #tpu.memory_space<vmem>> -> memref<50x128xf32, #tpu.memory_space<vmem>>
      %dma_start3A_647 = arith.constant 0 : i32
      %dma_start3A_648 = tpu.memref_slice %arg5[%min3A_640, %dma_start3A_647] : memref<128x128xi32, #tpu.memory_space<vmem>> -> memref<1x50xi32, #tpu.memory_space<vmem>>
      %dma_start3A_649 = tpu.memref_squeeze %dma_start3A_648 : memref<1x50xi32, #tpu.memory_space<vmem>> -> memref<50xi32, #tpu.memory_space<vmem>>
      %dma_start3A_650 = arith.constant 0 : i32
      %dma_start3A_651 = arith.constant 0 : i32
      %dma_start3A_652 = tpu.memref_slice %arg3[%dma_start3A_650, %dma_start3A_651] : memref<100000x128xf32, #tpu.memory_space<hbm>> -> memref<100000x128xf32, #tpu.memory_space<hbm>>
      %dma_start3A_653 = tpu.memref_slice %arg8[%dma_start3A_642] : memref<8x!tpu.dma_semaphore, #tpu.memory_space<semaphore_mem>> -> memref<1x!tpu.dma_semaphore, #tpu.memory_space<semaphore_mem>>
      %dma_start3A_654 = tpu.memref_squeeze %dma_start3A_653 : memref<1x!tpu.dma_semaphore, #tpu.memory_space<semaphore_mem>> -> memref<!tpu.dma_semaphore, #tpu.memory_space<semaphore_mem>>
      tpu.enqueue_indirect_dma source(%dma_start3A_652 : memref<100000x128xf32, #tpu.memory_space<hbm>>) target(%dma_start3A_646 : memref<50x128xf32, #tpu.memory_space<vmem>>) offsets(%dma_start3A_649 : memref<50xi32, #tpu.memory_space<vmem>>) semaphore(%dma_start3A_654 : memref<!tpu.dma_semaphore, #tpu.memory_space<semaphore_mem>>)
      %dma_wait3A_655 = arith.constant 0 : i32
      %dma_wait3A_656 = arith.constant 4 : i32
      %dma_wait3A_657 = arith.constant 4 : i32
      %dma_wait3A_658 = arith.constant 0 : i32
      %dma_wait3A_659 = arith.constant 0 : i32
      %dma_wait3A_660 = tpu.memref_slice %arg6[%dma_wait3A_656, %dma_wait3A_658, %dma_wait3A_659] : memref<8x50x128xf32, #tpu.memory_space<vmem>> -> memref<1x50x128xf32, #tpu.memory_space<vmem>>
      %dma_wait3A_661 = tpu.memref_squeeze %dma_wait3A_660 : memref<1x50x128xf32, #tpu.memory_space<vmem>> -> memref<50x128xf32, #tpu.memory_space<vmem>>
      %dma_wait3A_662 = arith.constant 0 : i32
      %dma_wait3A_663 = tpu.memref_slice %arg5[%dma_wait3A_655, %dma_wait3A_662] : memref<128x128xi32, #tpu.memory_space<vmem>> -> memref<1x50xi32, #tpu.memory_space<vmem>>
      %dma_wait3A_664 = tpu.memref_squeeze %dma_wait3A_663 : memref<1x50xi32, #tpu.memory_space<vmem>> -> memref<50xi32, #tpu.memory_space<vmem>>
      %dma_wait3A_665 = arith.constant 0 : i32
      %dma_wait3A_666 = arith.constant 0 : i32
      %dma_wait3A_667 = tpu.memref_slice %arg3[%dma_wait3A_665, %dma_wait3A_666] : memref<100000x128xf32, #tpu.memory_space<hbm>> -> memref<100000x128xf32, #tpu.memory_space<hbm>>
      %dma_wait3A_668 = tpu.memref_slice %arg8[%dma_wait3A_657] : memref<8x!tpu.dma_semaphore, #tpu.memory_space<semaphore_mem>> -> memref<1x!tpu.dma_semaphore, #tpu.memory_space<semaphore_mem>>
      %dma_wait3A_669 = tpu.memref_squeeze %dma_wait3A_668 : memref<1x!tpu.dma_semaphore, #tpu.memory_space<semaphore_mem>> -> memref<!tpu.dma_semaphore, #tpu.memory_space<semaphore_mem>>
      tpu.wait_indirect_dma semaphore(%dma_wait3A_669 : memref<!tpu.dma_semaphore, #tpu.memory_space<semaphore_mem>>) src(%dma_wait3A_667 : memref<100000x128xf32, #tpu.memory_space<hbm>>) dst(%dma_wait3A_661 : memref<50x128xf32, #tpu.memory_space<vmem>>)
      %add3A_670 = arith.constant 4 : i32
      %add3A_671 = arith.addi %mul3A_231, %add3A_670 : i32
      %broadcast_in_dim3A_672 = arith.constant 0.000000e+00 : f32
      %broadcast_in_dim3A_673 = vector.broadcast %broadcast_in_dim3A_672 : f32 to vector<16xf32>
      %broadcast_in_dim3A_674 = arith.constant 0.000000e+00 : f32
      %broadcast_in_dim3A_675 = vector.broadcast %broadcast_in_dim3A_674 : f32 to vector<16xf32>
      %broadcast_in_dim3A_676 = arith.constant 0.000000e+00 : f32
      %broadcast_in_dim3A_677 = vector.broadcast %broadcast_in_dim3A_676 : f32 to vector<16xf32>
      %broadcast_in_dim3A_678 = arith.constant 0.000000e+00 : f32
      %broadcast_in_dim3A_679 = vector.broadcast %broadcast_in_dim3A_678 : f32 to vector<16xf32>
      %broadcast_in_dim3A_680 = arith.constant 0.000000e+00 : f32
      %broadcast_in_dim3A_681 = vector.broadcast %broadcast_in_dim3A_680 : f32 to vector<16xf32>
      %broadcast_in_dim3A_682 = arith.constant 0.000000e+00 : f32
      %broadcast_in_dim3A_683 = vector.broadcast %broadcast_in_dim3A_682 : f32 to vector<16xf32>
      %broadcast_in_dim3A_684 = arith.constant 0.000000e+00 : f32
      %broadcast_in_dim3A_685 = vector.broadcast %broadcast_in_dim3A_684 : f32 to vector<16xf32>
      %broadcast_in_dim3A_686 = arith.constant 0.000000e+00 : f32
      %broadcast_in_dim3A_687 = vector.broadcast %broadcast_in_dim3A_686 : f32 to vector<16xf32>
      %scan3A_688 = arith.constant 0 : i32
      %scan3A_689 = arith.constant 50 : i32
      %scan3A_690 = arith.addi %scan3A_688, %scan3A_689 : i32
      %scan3A_691 = arith.constant 1 : i32
      %scan3A_692:8 = scf.for %scan3A_1037 = %scan3A_688 to %scan3A_690 step %scan3A_691 iter_args(%scan3A_1038 = %broadcast_in_dim3A_673, %scan3A_1039 = %broadcast_in_dim3A_675, %scan3A_1040 = %broadcast_in_dim3A_677, %scan3A_1041 = %broadcast_in_dim3A_679, %scan3A_1042 = %broadcast_in_dim3A_681, %scan3A_1043 = %broadcast_in_dim3A_683, %scan3A_1044 = %broadcast_in_dim3A_685, %scan3A_1045 = %broadcast_in_dim3A_687) -> (vector<16xf32>, vector<16xf32>, vector<16xf32>, vector<16xf32>, vector<16xf32>, vector<16xf32>, vector<16xf32>, vector<16xf32>)  : i32 {
        %get3A = arith.constant 4 : i32
        %get3A_1046 = arith.index_cast %get3A : i32 to index
        %get3A_1047 = arith.index_cast %scan3A_1037 : i32 to index
        %get3A_1048 = arith.constant 0 : index
        %get3A_1049 = tpu.vector_load %arg6[%get3A_1046, %get3A_1047, %get3A_1048] {strides = array<i32>} : memref<8x50x128xf32, #tpu.memory_space<vmem>>, vector<1x1x16xf32>,
        %get3A_1050 = vector.shape_cast %get3A_1049 : vector<1x1x16xf32> to vector<16xf32>
        %add3A_1051 = arith.addf %scan3A_1038, %get3A_1050 : vector<16xf32>
        %get3A_1052 = arith.constant 4 : i32
        %get3A_1053 = arith.index_cast %get3A_1052 : i32 to index
        %get3A_1054 = arith.index_cast %scan3A_1037 : i32 to index
        %get3A_1055 = arith.constant 16 : index
        %get3A_1056 = tpu.vector_load %arg6[%get3A_1053, %get3A_1054, %get3A_1055] {strides = array<i32>} : memref<8x50x128xf32, #tpu.memory_space<vmem>>, vector<1x1x16xf32>,
        %get3A_1057 = vector.shape_cast %get3A_1056 : vector<1x1x16xf32> to vector<16xf32>
        %add3A_1058 = arith.addf %scan3A_1039, %get3A_1057 : vector<16xf32>
        %get3A_1059 = arith.constant 4 : i32
        %get3A_1060 = arith.index_cast %get3A_1059 : i32 to index
        %get3A_1061 = arith.index_cast %scan3A_1037 : i32 to index
        %get3A_1062 = arith.constant 32 : index
        %get3A_1063 = tpu.vector_load %arg6[%get3A_1060, %get3A_1061, %get3A_1062] {strides = array<i32>} : memref<8x50x128xf32, #tpu.memory_space<vmem>>, vector<1x1x16xf32>,
        %get3A_1064 = vector.shape_cast %get3A_1063 : vector<1x1x16xf32> to vector<16xf32>
        %add3A_1065 = arith.addf %scan3A_1040, %get3A_1064 : vector<16xf32>
        %get3A_1066 = arith.constant 4 : i32
        %get3A_1067 = arith.index_cast %get3A_1066 : i32 to index
        %get3A_1068 = arith.index_cast %scan3A_1037 : i32 to index
        %get3A_1069 = arith.constant 48 : index
        %get3A_1070 = tpu.vector_load %arg6[%get3A_1067, %get3A_1068, %get3A_1069] {strides = array<i32>} : memref<8x50x128xf32, #tpu.memory_space<vmem>>, vector<1x1x16xf32>,
        %get3A_1071 = vector.shape_cast %get3A_1070 : vector<1x1x16xf32> to vector<16xf32>
        %add3A_1072 = arith.addf %scan3A_1041, %get3A_1071 : vector<16xf32>
        %get3A_1073 = arith.constant 4 : i32
        %get3A_1074 = arith.index_cast %get3A_1073 : i32 to index
        %get3A_1075 = arith.index_cast %scan3A_1037 : i32 to index
        %get3A_1076 = arith.constant 64 : index
        %get3A_1077 = tpu.vector_load %arg6[%get3A_1074, %get3A_1075, %get3A_1076] {strides = array<i32>} : memref<8x50x128xf32, #tpu.memory_space<vmem>>, vector<1x1x16xf32>,
        %get3A_1078 = vector.shape_cast %get3A_1077 : vector<1x1x16xf32> to vector<16xf32>
        %add3A_1079 = arith.addf %scan3A_1042, %get3A_1078 : vector<16xf32>
        %get3A_1080 = arith.constant 4 : i32
        %get3A_1081 = arith.index_cast %get3A_1080 : i32 to index
        %get3A_1082 = arith.index_cast %scan3A_1037 : i32 to index
        %get3A_1083 = arith.constant 80 : index
        %get3A_1084 = tpu.vector_load %arg6[%get3A_1081, %get3A_1082, %get3A_1083] {strides = array<i32>} : memref<8x50x128xf32, #tpu.memory_space<vmem>>, vector<1x1x16xf32>,
        %get3A_1085 = vector.shape_cast %get3A_1084 : vector<1x1x16xf32> to vector<16xf32>
        %add3A_1086 = arith.addf %scan3A_1043, %get3A_1085 : vector<16xf32>
        %get3A_1087 = arith.constant 4 : i32
        %get3A_1088 = arith.index_cast %get3A_1087 : i32 to index
        %get3A_1089 = arith.index_cast %scan3A_1037 : i32 to index
        %get3A_1090 = arith.constant 96 : index
        %get3A_1091 = tpu.vector_load %arg6[%get3A_1088, %get3A_1089, %get3A_1090] {strides = array<i32>} : memref<8x50x128xf32, #tpu.memory_space<vmem>>, vector<1x1x16xf32>,
        %get3A_1092 = vector.shape_cast %get3A_1091 : vector<1x1x16xf32> to vector<16xf32>
        %add3A_1093 = arith.addf %scan3A_1044, %get3A_1092 : vector<16xf32>
        %get3A_1094 = arith.constant 4 : i32
        %get3A_1095 = arith.index_cast %get3A_1094 : i32 to index
        %get3A_1096 = arith.index_cast %scan3A_1037 : i32 to index
        %get3A_1097 = arith.constant 112 : index
        %get3A_1098 = tpu.vector_load %arg6[%get3A_1095, %get3A_1096, %get3A_1097] {strides = array<i32>} : memref<8x50x128xf32, #tpu.memory_space<vmem>>, vector<1x1x16xf32>,
        %get3A_1099 = vector.shape_cast %get3A_1098 : vector<1x1x16xf32> to vector<16xf32>
        %add3A_1100 = arith.addf %scan3A_1045, %get3A_1099 : vector<16xf32>
        scf.yield %add3A_1051, %add3A_1058, %add3A_1065, %add3A_1072, %add3A_1079, %add3A_1086, %add3A_1093, %add3A_1100 : vector<16xf32>, vector<16xf32>, vector<16xf32>, vector<16xf32>, vector<16xf32>, vector<16xf32>, vector<16xf32>, vector<16xf32>
      }
      %scan3A_693 = arith.constant 50 : i32
      %swap3A_694 = arith.index_cast %add3A_671 : i32 to index
      %swap3A_695 = arith.constant 0 : index
      %swap3A_696 = tpu.vector_load %arg7[%swap3A_694, %swap3A_695] {strides = array<i32>} : memref<128x128xf32, #tpu.memory_space<vmem>>, vector<1x16xf32>,
      %swap3A_697 = vector.shape_cast %swap3A_696 : vector<1x16xf32> to vector<16xf32>
      %swap3A_698 = vector.shape_cast %scan3A_692#0 : vector<16xf32> to vector<1x16xf32>
      tpu.vector_store %arg7[%swap3A_694, %swap3A_695], %swap3A_698 {strides = array<i32>} : memref<128x128xf32, #tpu.memory_space<vmem>>, vector<1x16xf32>,
      %swap3A_699 = arith.index_cast %add3A_671 : i32 to index
      %swap3A_700 = arith.constant 16 : index
      %swap3A_701 = tpu.vector_load %arg7[%swap3A_699, %swap3A_700] {strides = array<i32>} : memref<128x128xf32, #tpu.memory_space<vmem>>, vector<1x16xf32>,
      %swap3A_702 = vector.shape_cast %swap3A_701 : vector<1x16xf32> to vector<16xf32>
      %swap3A_703 = vector.shape_cast %scan3A_692#1 : vector<16xf32> to vector<1x16xf32>
      tpu.vector_store %arg7[%swap3A_699, %swap3A_700], %swap3A_703 {strides = array<i32>} : memref<128x128xf32, #tpu.memory_space<vmem>>, vector<1x16xf32>,
      %swap3A_704 = arith.index_cast %add3A_671 : i32 to index
      %swap3A_705 = arith.constant 32 : index
      %swap3A_706 = tpu.vector_load %arg7[%swap3A_704, %swap3A_705] {strides = array<i32>} : memref<128x128xf32, #tpu.memory_space<vmem>>, vector<1x16xf32>,
      %swap3A_707 = vector.shape_cast %swap3A_706 : vector<1x16xf32> to vector<16xf32>
      %swap3A_708 = vector.shape_cast %scan3A_692#2 : vector<16xf32> to vector<1x16xf32>
      tpu.vector_store %arg7[%swap3A_704, %swap3A_705], %swap3A_708 {strides = array<i32>} : memref<128x128xf32, #tpu.memory_space<vmem>>, vector<1x16xf32>,
      %swap3A_709 = arith.index_cast %add3A_671 : i32 to index
      %swap3A_710 = arith.constant 48 : index
      %swap3A_711 = tpu.vector_load %arg7[%swap3A_709, %swap3A_710] {strides = array<i32>} : memref<128x128xf32, #tpu.memory_space<vmem>>, vector<1x16xf32>,
      %swap3A_712 = vector.shape_cast %swap3A_711 : vector<1x16xf32> to vector<16xf32>
      %swap3A_713 = vector.shape_cast %scan3A_692#3 : vector<16xf32> to vector<1x16xf32>
      tpu.vector_store %arg7[%swap3A_709, %swap3A_710], %swap3A_713 {strides = array<i32>} : memref<128x128xf32, #tpu.memory_space<vmem>>, vector<1x16xf32>,
      %swap3A_714 = arith.index_cast %add3A_671 : i32 to index
      %swap3A_715 = arith.constant 64 : index
      %swap3A_716 = tpu.vector_load %arg7[%swap3A_714, %swap3A_715] {strides = array<i32>} : memref<128x128xf32, #tpu.memory_space<vmem>>, vector<1x16xf32>,
      %swap3A_717 = vector.shape_cast %swap3A_716 : vector<1x16xf32> to vector<16xf32>
      %swap3A_718 = vector.shape_cast %scan3A_692#4 : vector<16xf32> to vector<1x16xf32>
      tpu.vector_store %arg7[%swap3A_714, %swap3A_715], %swap3A_718 {strides = array<i32>} : memref<128x128xf32, #tpu.memory_space<vmem>>, vector<1x16xf32>,
      %swap3A_719 = arith.index_cast %add3A_671 : i32 to index
      %swap3A_720 = arith.constant 80 : index
      %swap3A_721 = tpu.vector_load %arg7[%swap3A_719, %swap3A_720] {strides = array<i32>} : memref<128x128xf32, #tpu.memory_space<vmem>>, vector<1x16xf32>,
      %swap3A_722 = vector.shape_cast %swap3A_721 : vector<1x16xf32> to vector<16xf32>
      %swap3A_723 = vector.shape_cast %scan3A_692#5 : vector<16xf32> to vector<1x16xf32>
      tpu.vector_store %arg7[%swap3A_719, %swap3A_720], %swap3A_723 {strides = array<i32>} : memref<128x128xf32, #tpu.memory_space<vmem>>, vector<1x16xf32>,
      %swap3A_724 = arith.index_cast %add3A_671 : i32 to index
      %swap3A_725 = arith.constant 96 : index
      %swap3A_726 = tpu.vector_load %arg7[%swap3A_724, %swap3A_725] {strides = array<i32>} : memref<128x128xf32, #tpu.memory_space<vmem>>, vector<1x16xf32>,
      %swap3A_727 = vector.shape_cast %swap3A_726 : vector<1x16xf32> to vector<16xf32>
      %swap3A_728 = vector.shape_cast %scan3A_692#6 : vector<16xf32> to vector<1x16xf32>
      tpu.vector_store %arg7[%swap3A_724, %swap3A_725], %swap3A_728 {strides = array<i32>} : memref<128x128xf32, #tpu.memory_space<vmem>>, vector<1x16xf32>,
      %swap3A_729 = arith.index_cast %add3A_671 : i32 to index
      %swap3A_730 = arith.constant 112 : index
      %swap3A_731 = tpu.vector_load %arg7[%swap3A_729, %swap3A_730] {strides = array<i32>} : memref<128x128xf32, #tpu.memory_space<vmem>>, vector<1x16xf32>,
      %swap3A_732 = vector.shape_cast %swap3A_731 : vector<1x16xf32> to vector<16xf32>
      %swap3A_733 = vector.shape_cast %scan3A_692#7 : vector<16xf32> to vector<1x16xf32>
      tpu.vector_store %arg7[%swap3A_729, %swap3A_730], %swap3A_733 {strides = array<i32>} : memref<128x128xf32, #tpu.memory_space<vmem>>, vector<1x16xf32>,
      %add3A_734 = arith.constant 5 : i32
      %add3A_735 = arith.addi %mul3A_231, %add3A_734 : i32
      %add3A_736 = arith.constant 8 : i32
      %add3A_737 = arith.addi %add3A_735, %add3A_736 : i32
      %sub3A_738 = arith.constant 1 : i32
      %sub3A_739 = arith.subi %add3A_737, %sub3A_738 : i32
      %min3A_740 = arith.constant 127 : i32
      %min3A_741 = arith.minsi %sub3A_739, %min3A_740 : i32
      %dma_start3A_742 = arith.constant 4 : i32
      %dma_start3A_743 = arith.constant 4 : i32
      %dma_start3A_744 = arith.constant 0 : i32
      %dma_start3A_745 = arith.constant 0 : i32
      %dma_start3A_746 = tpu.memref_slice %arg6[%dma_start3A_742, %dma_start3A_744, %dma_start3A_745] : memref<8x50x128xf32, #tpu.memory_space<vmem>> -> memref<1x50x128xf32, #tpu.memory_space<vmem>>
      %dma_start3A_747 = tpu.memref_squeeze %dma_start3A_746 : memref<1x50x128xf32, #tpu.memory_space<vmem>> -> memref<50x128xf32, #tpu.memory_space<vmem>>
      %dma_start3A_748 = arith.constant 0 : i32
      %dma_start3A_749 = tpu.memref_slice %arg5[%min3A_741, %dma_start3A_748] : memref<128x128xi32, #tpu.memory_space<vmem>> -> memref<1x50xi32, #tpu.memory_space<vmem>>
      %dma_start3A_750 = tpu.memref_squeeze %dma_start3A_749 : memref<1x50xi32, #tpu.memory_space<vmem>> -> memref<50xi32, #tpu.memory_space<vmem>>
      %dma_start3A_751 = arith.constant 0 : i32
      %dma_start3A_752 = arith.constant 0 : i32
      %dma_start3A_753 = tpu.memref_slice %arg3[%dma_start3A_751, %dma_start3A_752] : memref<100000x128xf32, #tpu.memory_space<hbm>> -> memref<100000x128xf32, #tpu.memory_space<hbm>>
      %dma_start3A_754 = tpu.memref_slice %arg8[%dma_start3A_743] : memref<8x!tpu.dma_semaphore, #tpu.memory_space<semaphore_mem>> -> memref<1x!tpu.dma_semaphore, #tpu.memory_space<semaphore_mem>>
      %dma_start3A_755 = tpu.memref_squeeze %dma_start3A_754 : memref<1x!tpu.dma_semaphore, #tpu.memory_space<semaphore_mem>> -> memref<!tpu.dma_semaphore, #tpu.memory_space<semaphore_mem>>
      tpu.enqueue_indirect_dma source(%dma_start3A_753 : memref<100000x128xf32, #tpu.memory_space<hbm>>) target(%dma_start3A_747 : memref<50x128xf32, #tpu.memory_space<vmem>>) offsets(%dma_start3A_750 : memref<50xi32, #tpu.memory_space<vmem>>) semaphore(%dma_start3A_755 : memref<!tpu.dma_semaphore, #tpu.memory_space<semaphore_mem>>)
      %dma_wait3A_756 = arith.constant 0 : i32
      %dma_wait3A_757 = arith.constant 5 : i32
      %dma_wait3A_758 = arith.constant 5 : i32
      %dma_wait3A_759 = arith.constant 0 : i32
      %dma_wait3A_760 = arith.constant 0 : i32
      %dma_wait3A_761 = tpu.memref_slice %arg6[%dma_wait3A_757, %dma_wait3A_759, %dma_wait3A_760] : memref<8x50x128xf32, #tpu.memory_space<vmem>> -> memref<1x50x128xf32, #tpu.memory_space<vmem>>
      %dma_wait3A_762 = tpu.memref_squeeze %dma_wait3A_761 : memref<1x50x128xf32, #tpu.memory_space<vmem>> -> memref<50x128xf32, #tpu.memory_space<vmem>>
      %dma_wait3A_763 = arith.constant 0 : i32
      %dma_wait3A_764 = tpu.memref_slice %arg5[%dma_wait3A_756, %dma_wait3A_763] : memref<128x128xi32, #tpu.memory_space<vmem>> -> memref<1x50xi32, #tpu.memory_space<vmem>>
      %dma_wait3A_765 = tpu.memref_squeeze %dma_wait3A_764 : memref<1x50xi32, #tpu.memory_space<vmem>> -> memref<50xi32, #tpu.memory_space<vmem>>
      %dma_wait3A_766 = arith.constant 0 : i32
      %dma_wait3A_767 = arith.constant 0 : i32
      %dma_wait3A_768 = tpu.memref_slice %arg3[%dma_wait3A_766, %dma_wait3A_767] : memref<100000x128xf32, #tpu.memory_space<hbm>> -> memref<100000x128xf32, #tpu.memory_space<hbm>>
      %dma_wait3A_769 = tpu.memref_slice %arg8[%dma_wait3A_758] : memref<8x!tpu.dma_semaphore, #tpu.memory_space<semaphore_mem>> -> memref<1x!tpu.dma_semaphore, #tpu.memory_space<semaphore_mem>>
      %dma_wait3A_770 = tpu.memref_squeeze %dma_wait3A_769 : memref<1x!tpu.dma_semaphore, #tpu.memory_space<semaphore_mem>> -> memref<!tpu.dma_semaphore, #tpu.memory_space<semaphore_mem>>
      tpu.wait_indirect_dma semaphore(%dma_wait3A_770 : memref<!tpu.dma_semaphore, #tpu.memory_space<semaphore_mem>>) src(%dma_wait3A_768 : memref<100000x128xf32, #tpu.memory_space<hbm>>) dst(%dma_wait3A_762 : memref<50x128xf32, #tpu.memory_space<vmem>>)
      %add3A_771 = arith.constant 5 : i32
      %add3A_772 = arith.addi %mul3A_231, %add3A_771 : i32
      %broadcast_in_dim3A_773 = arith.constant 0.000000e+00 : f32
      %broadcast_in_dim3A_774 = vector.broadcast %broadcast_in_dim3A_773 : f32 to vector<16xf32>
      %broadcast_in_dim3A_775 = arith.constant 0.000000e+00 : f32
      %broadcast_in_dim3A_776 = vector.broadcast %broadcast_in_dim3A_775 : f32 to vector<16xf32>
      %broadcast_in_dim3A_777 = arith.constant 0.000000e+00 : f32
      %broadcast_in_dim3A_778 = vector.broadcast %broadcast_in_dim3A_777 : f32 to vector<16xf32>
      %broadcast_in_dim3A_779 = arith.constant 0.000000e+00 : f32
      %broadcast_in_dim3A_780 = vector.broadcast %broadcast_in_dim3A_779 : f32 to vector<16xf32>
      %broadcast_in_dim3A_781 = arith.constant 0.000000e+00 : f32
      %broadcast_in_dim3A_782 = vector.broadcast %broadcast_in_dim3A_781 : f32 to vector<16xf32>
      %broadcast_in_dim3A_783 = arith.constant 0.000000e+00 : f32
      %broadcast_in_dim3A_784 = vector.broadcast %broadcast_in_dim3A_783 : f32 to vector<16xf32>
      %broadcast_in_dim3A_785 = arith.constant 0.000000e+00 : f32
      %broadcast_in_dim3A_786 = vector.broadcast %broadcast_in_dim3A_785 : f32 to vector<16xf32>
      %broadcast_in_dim3A_787 = arith.constant 0.000000e+00 : f32
      %broadcast_in_dim3A_788 = vector.broadcast %broadcast_in_dim3A_787 : f32 to vector<16xf32>
      %scan3A_789 = arith.constant 0 : i32
      %scan3A_790 = arith.constant 50 : i32
      %scan3A_791 = arith.addi %scan3A_789, %scan3A_790 : i32
      %scan3A_792 = arith.constant 1 : i32
      %scan3A_793:8 = scf.for %scan3A_1037 = %scan3A_789 to %scan3A_791 step %scan3A_792 iter_args(%scan3A_1038 = %broadcast_in_dim3A_774, %scan3A_1039 = %broadcast_in_dim3A_776, %scan3A_1040 = %broadcast_in_dim3A_778, %scan3A_1041 = %broadcast_in_dim3A_780, %scan3A_1042 = %broadcast_in_dim3A_782, %scan3A_1043 = %broadcast_in_dim3A_784, %scan3A_1044 = %broadcast_in_dim3A_786, %scan3A_1045 = %broadcast_in_dim3A_788) -> (vector<16xf32>, vector<16xf32>, vector<16xf32>, vector<16xf32>, vector<16xf32>, vector<16xf32>, vector<16xf32>, vector<16xf32>)  : i32 {
        %get3A = arith.constant 5 : i32
        %get3A_1046 = arith.index_cast %get3A : i32 to index
        %get3A_1047 = arith.index_cast %scan3A_1037 : i32 to index
        %get3A_1048 = arith.constant 0 : index
        %get3A_1049 = tpu.vector_load %arg6[%get3A_1046, %get3A_1047, %get3A_1048] {strides = array<i32>} : memref<8x50x128xf32, #tpu.memory_space<vmem>>, vector<1x1x16xf32>,
        %get3A_1050 = vector.shape_cast %get3A_1049 : vector<1x1x16xf32> to vector<16xf32>
        %add3A_1051 = arith.addf %scan3A_1038, %get3A_1050 : vector<16xf32>
        %get3A_1052 = arith.constant 5 : i32
        %get3A_1053 = arith.index_cast %get3A_1052 : i32 to index
        %get3A_1054 = arith.index_cast %scan3A_1037 : i32 to index
        %get3A_1055 = arith.constant 16 : index
        %get3A_1056 = tpu.vector_load %arg6[%get3A_1053, %get3A_1054, %get3A_1055] {strides = array<i32>} : memref<8x50x128xf32, #tpu.memory_space<vmem>>, vector<1x1x16xf32>,
        %get3A_1057 = vector.shape_cast %get3A_1056 : vector<1x1x16xf32> to vector<16xf32>
        %add3A_1058 = arith.addf %scan3A_1039, %get3A_1057 : vector<16xf32>
        %get3A_1059 = arith.constant 5 : i32
        %get3A_1060 = arith.index_cast %get3A_1059 : i32 to index
        %get3A_1061 = arith.index_cast %scan3A_1037 : i32 to index
        %get3A_1062 = arith.constant 32 : index
        %get3A_1063 = tpu.vector_load %arg6[%get3A_1060, %get3A_1061, %get3A_1062] {strides = array<i32>} : memref<8x50x128xf32, #tpu.memory_space<vmem>>, vector<1x1x16xf32>,
        %get3A_1064 = vector.shape_cast %get3A_1063 : vector<1x1x16xf32> to vector<16xf32>
        %add3A_1065 = arith.addf %scan3A_1040, %get3A_1064 : vector<16xf32>
        %get3A_1066 = arith.constant 5 : i32
        %get3A_1067 = arith.index_cast %get3A_1066 : i32 to index
        %get3A_1068 = arith.index_cast %scan3A_1037 : i32 to index
        %get3A_1069 = arith.constant 48 : index
        %get3A_1070 = tpu.vector_load %arg6[%get3A_1067, %get3A_1068, %get3A_1069] {strides = array<i32>} : memref<8x50x128xf32, #tpu.memory_space<vmem>>, vector<1x1x16xf32>,
        %get3A_1071 = vector.shape_cast %get3A_1070 : vector<1x1x16xf32> to vector<16xf32>
        %add3A_1072 = arith.addf %scan3A_1041, %get3A_1071 : vector<16xf32>
        %get3A_1073 = arith.constant 5 : i32
        %get3A_1074 = arith.index_cast %get3A_1073 : i32 to index
        %get3A_1075 = arith.index_cast %scan3A_1037 : i32 to index
        %get3A_1076 = arith.constant 64 : index
        %get3A_1077 = tpu.vector_load %arg6[%get3A_1074, %get3A_1075, %get3A_1076] {strides = array<i32>} : memref<8x50x128xf32, #tpu.memory_space<vmem>>, vector<1x1x16xf32>,
        %get3A_1078 = vector.shape_cast %get3A_1077 : vector<1x1x16xf32> to vector<16xf32>
        %add3A_1079 = arith.addf %scan3A_1042, %get3A_1078 : vector<16xf32>
        %get3A_1080 = arith.constant 5 : i32
        %get3A_1081 = arith.index_cast %get3A_1080 : i32 to index
        %get3A_1082 = arith.index_cast %scan3A_1037 : i32 to index
        %get3A_1083 = arith.constant 80 : index
        %get3A_1084 = tpu.vector_load %arg6[%get3A_1081, %get3A_1082, %get3A_1083] {strides = array<i32>} : memref<8x50x128xf32, #tpu.memory_space<vmem>>, vector<1x1x16xf32>,
        %get3A_1085 = vector.shape_cast %get3A_1084 : vector<1x1x16xf32> to vector<16xf32>
        %add3A_1086 = arith.addf %scan3A_1043, %get3A_1085 : vector<16xf32>
        %get3A_1087 = arith.constant 5 : i32
        %get3A_1088 = arith.index_cast %get3A_1087 : i32 to index
        %get3A_1089 = arith.index_cast %scan3A_1037 : i32 to index
        %get3A_1090 = arith.constant 96 : index
        %get3A_1091 = tpu.vector_load %arg6[%get3A_1088, %get3A_1089, %get3A_1090] {strides = array<i32>} : memref<8x50x128xf32, #tpu.memory_space<vmem>>, vector<1x1x16xf32>,
        %get3A_1092 = vector.shape_cast %get3A_1091 : vector<1x1x16xf32> to vector<16xf32>
        %add3A_1093 = arith.addf %scan3A_1044, %get3A_1092 : vector<16xf32>
        %get3A_1094 = arith.constant 5 : i32
        %get3A_1095 = arith.index_cast %get3A_1094 : i32 to index
        %get3A_1096 = arith.index_cast %scan3A_1037 : i32 to index
        %get3A_1097 = arith.constant 112 : index
        %get3A_1098 = tpu.vector_load %arg6[%get3A_1095, %get3A_1096, %get3A_1097] {strides = array<i32>} : memref<8x50x128xf32, #tpu.memory_space<vmem>>, vector<1x1x16xf32>,
        %get3A_1099 = vector.shape_cast %get3A_1098 : vector<1x1x16xf32> to vector<16xf32>
        %add3A_1100 = arith.addf %scan3A_1045, %get3A_1099 : vector<16xf32>
        scf.yield %add3A_1051, %add3A_1058, %add3A_1065, %add3A_1072, %add3A_1079, %add3A_1086, %add3A_1093, %add3A_1100 : vector<16xf32>, vector<16xf32>, vector<16xf32>, vector<16xf32>, vector<16xf32>, vector<16xf32>, vector<16xf32>, vector<16xf32>
      }
      %scan3A_794 = arith.constant 50 : i32
      %swap3A_795 = arith.index_cast %add3A_772 : i32 to index
      %swap3A_796 = arith.constant 0 : index
      %swap3A_797 = tpu.vector_load %arg7[%swap3A_795, %swap3A_796] {strides = array<i32>} : memref<128x128xf32, #tpu.memory_space<vmem>>, vector<1x16xf32>,
      %swap3A_798 = vector.shape_cast %swap3A_797 : vector<1x16xf32> to vector<16xf32>
      %swap3A_799 = vector.shape_cast %scan3A_793#0 : vector<16xf32> to vector<1x16xf32>
      tpu.vector_store %arg7[%swap3A_795, %swap3A_796], %swap3A_799 {strides = array<i32>} : memref<128x128xf32, #tpu.memory_space<vmem>>, vector<1x16xf32>,
      %swap3A_800 = arith.index_cast %add3A_772 : i32 to index
      %swap3A_801 = arith.constant 16 : index
      %swap3A_802 = tpu.vector_load %arg7[%swap3A_800, %swap3A_801] {strides = array<i32>} : memref<128x128xf32, #tpu.memory_space<vmem>>, vector<1x16xf32>,
      %swap3A_803 = vector.shape_cast %swap3A_802 : vector<1x16xf32> to vector<16xf32>
      %swap3A_804 = vector.shape_cast %scan3A_793#1 : vector<16xf32> to vector<1x16xf32>
      tpu.vector_store %arg7[%swap3A_800, %swap3A_801], %swap3A_804 {strides = array<i32>} : memref<128x128xf32, #tpu.memory_space<vmem>>, vector<1x16xf32>,
      %swap3A_805 = arith.index_cast %add3A_772 : i32 to index
      %swap3A_806 = arith.constant 32 : index
      %swap3A_807 = tpu.vector_load %arg7[%swap3A_805, %swap3A_806] {strides = array<i32>} : memref<128x128xf32, #tpu.memory_space<vmem>>, vector<1x16xf32>,
      %swap3A_808 = vector.shape_cast %swap3A_807 : vector<1x16xf32> to vector<16xf32>
      %swap3A_809 = vector.shape_cast %scan3A_793#2 : vector<16xf32> to vector<1x16xf32>
      tpu.vector_store %arg7[%swap3A_805, %swap3A_806], %swap3A_809 {strides = array<i32>} : memref<128x128xf32, #tpu.memory_space<vmem>>, vector<1x16xf32>,
      %swap3A_810 = arith.index_cast %add3A_772 : i32 to index
      %swap3A_811 = arith.constant 48 : index
      %swap3A_812 = tpu.vector_load %arg7[%swap3A_810, %swap3A_811] {strides = array<i32>} : memref<128x128xf32, #tpu.memory_space<vmem>>, vector<1x16xf32>,
      %swap3A_813 = vector.shape_cast %swap3A_812 : vector<1x16xf32> to vector<16xf32>
      %swap3A_814 = vector.shape_cast %scan3A_793#3 : vector<16xf32> to vector<1x16xf32>
      tpu.vector_store %arg7[%swap3A_810, %swap3A_811], %swap3A_814 {strides = array<i32>} : memref<128x128xf32, #tpu.memory_space<vmem>>, vector<1x16xf32>,
      %swap3A_815 = arith.index_cast %add3A_772 : i32 to index
      %swap3A_816 = arith.constant 64 : index
      %swap3A_817 = tpu.vector_load %arg7[%swap3A_815, %swap3A_816] {strides = array<i32>} : memref<128x128xf32, #tpu.memory_space<vmem>>, vector<1x16xf32>,
      %swap3A_818 = vector.shape_cast %swap3A_817 : vector<1x16xf32> to vector<16xf32>
      %swap3A_819 = vector.shape_cast %scan3A_793#4 : vector<16xf32> to vector<1x16xf32>
      tpu.vector_store %arg7[%swap3A_815, %swap3A_816], %swap3A_819 {strides = array<i32>} : memref<128x128xf32, #tpu.memory_space<vmem>>, vector<1x16xf32>,
      %swap3A_820 = arith.index_cast %add3A_772 : i32 to index
      %swap3A_821 = arith.constant 80 : index
      %swap3A_822 = tpu.vector_load %arg7[%swap3A_820, %swap3A_821] {strides = array<i32>} : memref<128x128xf32, #tpu.memory_space<vmem>>, vector<1x16xf32>,
      %swap3A_823 = vector.shape_cast %swap3A_822 : vector<1x16xf32> to vector<16xf32>
      %swap3A_824 = vector.shape_cast %scan3A_793#5 : vector<16xf32> to vector<1x16xf32>
      tpu.vector_store %arg7[%swap3A_820, %swap3A_821], %swap3A_824 {strides = array<i32>} : memref<128x128xf32, #tpu.memory_space<vmem>>, vector<1x16xf32>,
      %swap3A_825 = arith.index_cast %add3A_772 : i32 to index
      %swap3A_826 = arith.constant 96 : index
      %swap3A_827 = tpu.vector_load %arg7[%swap3A_825, %swap3A_826] {strides = array<i32>} : memref<128x128xf32, #tpu.memory_space<vmem>>, vector<1x16xf32>,
      %swap3A_828 = vector.shape_cast %swap3A_827 : vector<1x16xf32> to vector<16xf32>
      %swap3A_829 = vector.shape_cast %scan3A_793#6 : vector<16xf32> to vector<1x16xf32>
      tpu.vector_store %arg7[%swap3A_825, %swap3A_826], %swap3A_829 {strides = array<i32>} : memref<128x128xf32, #tpu.memory_space<vmem>>, vector<1x16xf32>,
      %swap3A_830 = arith.index_cast %add3A_772 : i32 to index
      %swap3A_831 = arith.constant 112 : index
      %swap3A_832 = tpu.vector_load %arg7[%swap3A_830, %swap3A_831] {strides = array<i32>} : memref<128x128xf32, #tpu.memory_space<vmem>>, vector<1x16xf32>,
      %swap3A_833 = vector.shape_cast %swap3A_832 : vector<1x16xf32> to vector<16xf32>
      %swap3A_834 = vector.shape_cast %scan3A_793#7 : vector<16xf32> to vector<1x16xf32>
      tpu.vector_store %arg7[%swap3A_830, %swap3A_831], %swap3A_834 {strides = array<i32>} : memref<128x128xf32, #tpu.memory_space<vmem>>, vector<1x16xf32>,
      %add3A_835 = arith.constant 6 : i32
      %add3A_836 = arith.addi %mul3A_231, %add3A_835 : i32
      %add3A_837 = arith.constant 8 : i32
      %add3A_838 = arith.addi %add3A_836, %add3A_837 : i32
      %sub3A_839 = arith.constant 1 : i32
      %sub3A_840 = arith.subi %add3A_838, %sub3A_839 : i32
      %min3A_841 = arith.constant 127 : i32
      %min3A_842 = arith.minsi %sub3A_840, %min3A_841 : i32
      %dma_start3A_843 = arith.constant 5 : i32
      %dma_start3A_844 = arith.constant 5 : i32
      %dma_start3A_845 = arith.constant 0 : i32
      %dma_start3A_846 = arith.constant 0 : i32
      %dma_start3A_847 = tpu.memref_slice %arg6[%dma_start3A_843, %dma_start3A_845, %dma_start3A_846] : memref<8x50x128xf32, #tpu.memory_space<vmem>> -> memref<1x50x128xf32, #tpu.memory_space<vmem>>
      %dma_start3A_848 = tpu.memref_squeeze %dma_start3A_847 : memref<1x50x128xf32, #tpu.memory_space<vmem>> -> memref<50x128xf32, #tpu.memory_space<vmem>>
      %dma_start3A_849 = arith.constant 0 : i32
      %dma_start3A_850 = tpu.memref_slice %arg5[%min3A_842, %dma_start3A_849] : memref<128x128xi32, #tpu.memory_space<vmem>> -> memref<1x50xi32, #tpu.memory_space<vmem>>
      %dma_start3A_851 = tpu.memref_squeeze %dma_start3A_850 : memref<1x50xi32, #tpu.memory_space<vmem>> -> memref<50xi32, #tpu.memory_space<vmem>>
      %dma_start3A_852 = arith.constant 0 : i32
      %dma_start3A_853 = arith.constant 0 : i32
      %dma_start3A_854 = tpu.memref_slice %arg3[%dma_start3A_852, %dma_start3A_853] : memref<100000x128xf32, #tpu.memory_space<hbm>> -> memref<100000x128xf32, #tpu.memory_space<hbm>>
      %dma_start3A_855 = tpu.memref_slice %arg8[%dma_start3A_844] : memref<8x!tpu.dma_semaphore, #tpu.memory_space<semaphore_mem>> -> memref<1x!tpu.dma_semaphore, #tpu.memory_space<semaphore_mem>>
      %dma_start3A_856 = tpu.memref_squeeze %dma_start3A_855 : memref<1x!tpu.dma_semaphore, #tpu.memory_space<semaphore_mem>> -> memref<!tpu.dma_semaphore, #tpu.memory_space<semaphore_mem>>
      tpu.enqueue_indirect_dma source(%dma_start3A_854 : memref<100000x128xf32, #tpu.memory_space<hbm>>) target(%dma_start3A_848 : memref<50x128xf32, #tpu.memory_space<vmem>>) offsets(%dma_start3A_851 : memref<50xi32, #tpu.memory_space<vmem>>) semaphore(%dma_start3A_856 : memref<!tpu.dma_semaphore, #tpu.memory_space<semaphore_mem>>)
      %dma_wait3A_857 = arith.constant 0 : i32
      %dma_wait3A_858 = arith.constant 6 : i32
      %dma_wait3A_859 = arith.constant 6 : i32
      %dma_wait3A_860 = arith.constant 0 : i32
      %dma_wait3A_861 = arith.constant 0 : i32
      %dma_wait3A_862 = tpu.memref_slice %arg6[%dma_wait3A_858, %dma_wait3A_860, %dma_wait3A_861] : memref<8x50x128xf32, #tpu.memory_space<vmem>> -> memref<1x50x128xf32, #tpu.memory_space<vmem>>
      %dma_wait3A_863 = tpu.memref_squeeze %dma_wait3A_862 : memref<1x50x128xf32, #tpu.memory_space<vmem>> -> memref<50x128xf32, #tpu.memory_space<vmem>>
      %dma_wait3A_864 = arith.constant 0 : i32
      %dma_wait3A_865 = tpu.memref_slice %arg5[%dma_wait3A_857, %dma_wait3A_864] : memref<128x128xi32, #tpu.memory_space<vmem>> -> memref<1x50xi32, #tpu.memory_space<vmem>>
      %dma_wait3A_866 = tpu.memref_squeeze %dma_wait3A_865 : memref<1x50xi32, #tpu.memory_space<vmem>> -> memref<50xi32, #tpu.memory_space<vmem>>
      %dma_wait3A_867 = arith.constant 0 : i32
      %dma_wait3A_868 = arith.constant 0 : i32
      %dma_wait3A_869 = tpu.memref_slice %arg3[%dma_wait3A_867, %dma_wait3A_868] : memref<100000x128xf32, #tpu.memory_space<hbm>> -> memref<100000x128xf32, #tpu.memory_space<hbm>>
      %dma_wait3A_870 = tpu.memref_slice %arg8[%dma_wait3A_859] : memref<8x!tpu.dma_semaphore, #tpu.memory_space<semaphore_mem>> -> memref<1x!tpu.dma_semaphore, #tpu.memory_space<semaphore_mem>>
      %dma_wait3A_871 = tpu.memref_squeeze %dma_wait3A_870 : memref<1x!tpu.dma_semaphore, #tpu.memory_space<semaphore_mem>> -> memref<!tpu.dma_semaphore, #tpu.memory_space<semaphore_mem>>
      tpu.wait_indirect_dma semaphore(%dma_wait3A_871 : memref<!tpu.dma_semaphore, #tpu.memory_space<semaphore_mem>>) src(%dma_wait3A_869 : memref<100000x128xf32, #tpu.memory_space<hbm>>) dst(%dma_wait3A_863 : memref<50x128xf32, #tpu.memory_space<vmem>>)
      %add3A_872 = arith.constant 6 : i32
      %add3A_873 = arith.addi %mul3A_231, %add3A_872 : i32
      %broadcast_in_dim3A_874 = arith.constant 0.000000e+00 : f32
      %broadcast_in_dim3A_875 = vector.broadcast %broadcast_in_dim3A_874 : f32 to vector<16xf32>
      %broadcast_in_dim3A_876 = arith.constant 0.000000e+00 : f32
      %broadcast_in_dim3A_877 = vector.broadcast %broadcast_in_dim3A_876 : f32 to vector<16xf32>
      %broadcast_in_dim3A_878 = arith.constant 0.000000e+00 : f32
      %broadcast_in_dim3A_879 = vector.broadcast %broadcast_in_dim3A_878 : f32 to vector<16xf32>
      %broadcast_in_dim3A_880 = arith.constant 0.000000e+00 : f32
      %broadcast_in_dim3A_881 = vector.broadcast %broadcast_in_dim3A_880 : f32 to vector<16xf32>
      %broadcast_in_dim3A_882 = arith.constant 0.000000e+00 : f32
      %broadcast_in_dim3A_883 = vector.broadcast %broadcast_in_dim3A_882 : f32 to vector<16xf32>
      %broadcast_in_dim3A_884 = arith.constant 0.000000e+00 : f32
      %broadcast_in_dim3A_885 = vector.broadcast %broadcast_in_dim3A_884 : f32 to vector<16xf32>
      %broadcast_in_dim3A_886 = arith.constant 0.000000e+00 : f32
      %broadcast_in_dim3A_887 = vector.broadcast %broadcast_in_dim3A_886 : f32 to vector<16xf32>
      %broadcast_in_dim3A_888 = arith.constant 0.000000e+00 : f32
      %broadcast_in_dim3A_889 = vector.broadcast %broadcast_in_dim3A_888 : f32 to vector<16xf32>
      %scan3A_890 = arith.constant 0 : i32
      %scan3A_891 = arith.constant 50 : i32
      %scan3A_892 = arith.addi %scan3A_890, %scan3A_891 : i32
      %scan3A_893 = arith.constant 1 : i32
      %scan3A_894:8 = scf.for %scan3A_1037 = %scan3A_890 to %scan3A_892 step %scan3A_893 iter_args(%scan3A_1038 = %broadcast_in_dim3A_875, %scan3A_1039 = %broadcast_in_dim3A_877, %scan3A_1040 = %broadcast_in_dim3A_879, %scan3A_1041 = %broadcast_in_dim3A_881, %scan3A_1042 = %broadcast_in_dim3A_883, %scan3A_1043 = %broadcast_in_dim3A_885, %scan3A_1044 = %broadcast_in_dim3A_887, %scan3A_1045 = %broadcast_in_dim3A_889) -> (vector<16xf32>, vector<16xf32>, vector<16xf32>, vector<16xf32>, vector<16xf32>, vector<16xf32>, vector<16xf32>, vector<16xf32>)  : i32 {
        %get3A = arith.constant 6 : i32
        %get3A_1046 = arith.index_cast %get3A : i32 to index
        %get3A_1047 = arith.index_cast %scan3A_1037 : i32 to index
        %get3A_1048 = arith.constant 0 : index
        %get3A_1049 = tpu.vector_load %arg6[%get3A_1046, %get3A_1047, %get3A_1048] {strides = array<i32>} : memref<8x50x128xf32, #tpu.memory_space<vmem>>, vector<1x1x16xf32>,
        %get3A_1050 = vector.shape_cast %get3A_1049 : vector<1x1x16xf32> to vector<16xf32>
        %add3A_1051 = arith.addf %scan3A_1038, %get3A_1050 : vector<16xf32>
        %get3A_1052 = arith.constant 6 : i32
        %get3A_1053 = arith.index_cast %get3A_1052 : i32 to index
        %get3A_1054 = arith.index_cast %scan3A_1037 : i32 to index
        %get3A_1055 = arith.constant 16 : index
        %get3A_1056 = tpu.vector_load %arg6[%get3A_1053, %get3A_1054, %get3A_1055] {strides = array<i32>} : memref<8x50x128xf32, #tpu.memory_space<vmem>>, vector<1x1x16xf32>,
        %get3A_1057 = vector.shape_cast %get3A_1056 : vector<1x1x16xf32> to vector<16xf32>
        %add3A_1058 = arith.addf %scan3A_1039, %get3A_1057 : vector<16xf32>
        %get3A_1059 = arith.constant 6 : i32
        %get3A_1060 = arith.index_cast %get3A_1059 : i32 to index
        %get3A_1061 = arith.index_cast %scan3A_1037 : i32 to index
        %get3A_1062 = arith.constant 32 : index
        %get3A_1063 = tpu.vector_load %arg6[%get3A_1060, %get3A_1061, %get3A_1062] {strides = array<i32>} : memref<8x50x128xf32, #tpu.memory_space<vmem>>, vector<1x1x16xf32>,
        %get3A_1064 = vector.shape_cast %get3A_1063 : vector<1x1x16xf32> to vector<16xf32>
        %add3A_1065 = arith.addf %scan3A_1040, %get3A_1064 : vector<16xf32>
        %get3A_1066 = arith.constant 6 : i32
        %get3A_1067 = arith.index_cast %get3A_1066 : i32 to index
        %get3A_1068 = arith.index_cast %scan3A_1037 : i32 to index
        %get3A_1069 = arith.constant 48 : index
        %get3A_1070 = tpu.vector_load %arg6[%get3A_1067, %get3A_1068, %get3A_1069] {strides = array<i32>} : memref<8x50x128xf32, #tpu.memory_space<vmem>>, vector<1x1x16xf32>,
        %get3A_1071 = vector.shape_cast %get3A_1070 : vector<1x1x16xf32> to vector<16xf32>
        %add3A_1072 = arith.addf %scan3A_1041, %get3A_1071 : vector<16xf32>
        %get3A_1073 = arith.constant 6 : i32
        %get3A_1074 = arith.index_cast %get3A_1073 : i32 to index
        %get3A_1075 = arith.index_cast %scan3A_1037 : i32 to index
        %get3A_1076 = arith.constant 64 : index
        %get3A_1077 = tpu.vector_load %arg6[%get3A_1074, %get3A_1075, %get3A_1076] {strides = array<i32>} : memref<8x50x128xf32, #tpu.memory_space<vmem>>, vector<1x1x16xf32>,
        %get3A_1078 = vector.shape_cast %get3A_1077 : vector<1x1x16xf32> to vector<16xf32>
        %add3A_1079 = arith.addf %scan3A_1042, %get3A_1078 : vector<16xf32>
        %get3A_1080 = arith.constant 6 : i32
        %get3A_1081 = arith.index_cast %get3A_1080 : i32 to index
        %get3A_1082 = arith.index_cast %scan3A_1037 : i32 to index
        %get3A_1083 = arith.constant 80 : index
        %get3A_1084 = tpu.vector_load %arg6[%get3A_1081, %get3A_1082, %get3A_1083] {strides = array<i32>} : memref<8x50x128xf32, #tpu.memory_space<vmem>>, vector<1x1x16xf32>,
        %get3A_1085 = vector.shape_cast %get3A_1084 : vector<1x1x16xf32> to vector<16xf32>
        %add3A_1086 = arith.addf %scan3A_1043, %get3A_1085 : vector<16xf32>
        %get3A_1087 = arith.constant 6 : i32
        %get3A_1088 = arith.index_cast %get3A_1087 : i32 to index
        %get3A_1089 = arith.index_cast %scan3A_1037 : i32 to index
        %get3A_1090 = arith.constant 96 : index
        %get3A_1091 = tpu.vector_load %arg6[%get3A_1088, %get3A_1089, %get3A_1090] {strides = array<i32>} : memref<8x50x128xf32, #tpu.memory_space<vmem>>, vector<1x1x16xf32>,
        %get3A_1092 = vector.shape_cast %get3A_1091 : vector<1x1x16xf32> to vector<16xf32>
        %add3A_1093 = arith.addf %scan3A_1044, %get3A_1092 : vector<16xf32>
        %get3A_1094 = arith.constant 6 : i32
        %get3A_1095 = arith.index_cast %get3A_1094 : i32 to index
        %get3A_1096 = arith.index_cast %scan3A_1037 : i32 to index
        %get3A_1097 = arith.constant 112 : index
        %get3A_1098 = tpu.vector_load %arg6[%get3A_1095, %get3A_1096, %get3A_1097] {strides = array<i32>} : memref<8x50x128xf32, #tpu.memory_space<vmem>>, vector<1x1x16xf32>,
        %get3A_1099 = vector.shape_cast %get3A_1098 : vector<1x1x16xf32> to vector<16xf32>
        %add3A_1100 = arith.addf %scan3A_1045, %get3A_1099 : vector<16xf32>
        scf.yield %add3A_1051, %add3A_1058, %add3A_1065, %add3A_1072, %add3A_1079, %add3A_1086, %add3A_1093, %add3A_1100 : vector<16xf32>, vector<16xf32>, vector<16xf32>, vector<16xf32>, vector<16xf32>, vector<16xf32>, vector<16xf32>, vector<16xf32>
      }
      %scan3A_895 = arith.constant 50 : i32
      %swap3A_896 = arith.index_cast %add3A_873 : i32 to index
      %swap3A_897 = arith.constant 0 : index
      %swap3A_898 = tpu.vector_load %arg7[%swap3A_896, %swap3A_897] {strides = array<i32>} : memref<128x128xf32, #tpu.memory_space<vmem>>, vector<1x16xf32>,
      %swap3A_899 = vector.shape_cast %swap3A_898 : vector<1x16xf32> to vector<16xf32>
      %swap3A_900 = vector.shape_cast %scan3A_894#0 : vector<16xf32> to vector<1x16xf32>
      tpu.vector_store %arg7[%swap3A_896, %swap3A_897], %swap3A_900 {strides = array<i32>} : memref<128x128xf32, #tpu.memory_space<vmem>>, vector<1x16xf32>,
      %swap3A_901 = arith.index_cast %add3A_873 : i32 to index
      %swap3A_902 = arith.constant 16 : index
      %swap3A_903 = tpu.vector_load %arg7[%swap3A_901, %swap3A_902] {strides = array<i32>} : memref<128x128xf32, #tpu.memory_space<vmem>>, vector<1x16xf32>,
      %swap3A_904 = vector.shape_cast %swap3A_903 : vector<1x16xf32> to vector<16xf32>
      %swap3A_905 = vector.shape_cast %scan3A_894#1 : vector<16xf32> to vector<1x16xf32>
      tpu.vector_store %arg7[%swap3A_901, %swap3A_902], %swap3A_905 {strides = array<i32>} : memref<128x128xf32, #tpu.memory_space<vmem>>, vector<1x16xf32>,
      %swap3A_906 = arith.index_cast %add3A_873 : i32 to index
      %swap3A_907 = arith.constant 32 : index
      %swap3A_908 = tpu.vector_load %arg7[%swap3A_906, %swap3A_907] {strides = array<i32>} : memref<128x128xf32, #tpu.memory_space<vmem>>, vector<1x16xf32>,
      %swap3A_909 = vector.shape_cast %swap3A_908 : vector<1x16xf32> to vector<16xf32>
      %swap3A_910 = vector.shape_cast %scan3A_894#2 : vector<16xf32> to vector<1x16xf32>
      tpu.vector_store %arg7[%swap3A_906, %swap3A_907], %swap3A_910 {strides = array<i32>} : memref<128x128xf32, #tpu.memory_space<vmem>>, vector<1x16xf32>,
      %swap3A_911 = arith.index_cast %add3A_873 : i32 to index
      %swap3A_912 = arith.constant 48 : index
      %swap3A_913 = tpu.vector_load %arg7[%swap3A_911, %swap3A_912] {strides = array<i32>} : memref<128x128xf32, #tpu.memory_space<vmem>>, vector<1x16xf32>,
      %swap3A_914 = vector.shape_cast %swap3A_913 : vector<1x16xf32> to vector<16xf32>
      %swap3A_915 = vector.shape_cast %scan3A_894#3 : vector<16xf32> to vector<1x16xf32>
      tpu.vector_store %arg7[%swap3A_911, %swap3A_912], %swap3A_915 {strides = array<i32>} : memref<128x128xf32, #tpu.memory_space<vmem>>, vector<1x16xf32>,
      %swap3A_916 = arith.index_cast %add3A_873 : i32 to index
      %swap3A_917 = arith.constant 64 : index
      %swap3A_918 = tpu.vector_load %arg7[%swap3A_916, %swap3A_917] {strides = array<i32>} : memref<128x128xf32, #tpu.memory_space<vmem>>, vector<1x16xf32>,
      %swap3A_919 = vector.shape_cast %swap3A_918 : vector<1x16xf32> to vector<16xf32>
      %swap3A_920 = vector.shape_cast %scan3A_894#4 : vector<16xf32> to vector<1x16xf32>
      tpu.vector_store %arg7[%swap3A_916, %swap3A_917], %swap3A_920 {strides = array<i32>} : memref<128x128xf32, #tpu.memory_space<vmem>>, vector<1x16xf32>,
      %swap3A_921 = arith.index_cast %add3A_873 : i32 to index
      %swap3A_922 = arith.constant 80 : index
      %swap3A_923 = tpu.vector_load %arg7[%swap3A_921, %swap3A_922] {strides = array<i32>} : memref<128x128xf32, #tpu.memory_space<vmem>>, vector<1x16xf32>,
      %swap3A_924 = vector.shape_cast %swap3A_923 : vector<1x16xf32> to vector<16xf32>
      %swap3A_925 = vector.shape_cast %scan3A_894#5 : vector<16xf32> to vector<1x16xf32>
      tpu.vector_store %arg7[%swap3A_921, %swap3A_922], %swap3A_925 {strides = array<i32>} : memref<128x128xf32, #tpu.memory_space<vmem>>, vector<1x16xf32>,
      %swap3A_926 = arith.index_cast %add3A_873 : i32 to index
      %swap3A_927 = arith.constant 96 : index
      %swap3A_928 = tpu.vector_load %arg7[%swap3A_926, %swap3A_927] {strides = array<i32>} : memref<128x128xf32, #tpu.memory_space<vmem>>, vector<1x16xf32>,
      %swap3A_929 = vector.shape_cast %swap3A_928 : vector<1x16xf32> to vector<16xf32>
      %swap3A_930 = vector.shape_cast %scan3A_894#6 : vector<16xf32> to vector<1x16xf32>
      tpu.vector_store %arg7[%swap3A_926, %swap3A_927], %swap3A_930 {strides = array<i32>} : memref<128x128xf32, #tpu.memory_space<vmem>>, vector<1x16xf32>,
      %swap3A_931 = arith.index_cast %add3A_873 : i32 to index
      %swap3A_932 = arith.constant 112 : index
      %swap3A_933 = tpu.vector_load %arg7[%swap3A_931, %swap3A_932] {strides = array<i32>} : memref<128x128xf32, #tpu.memory_space<vmem>>, vector<1x16xf32>,
      %swap3A_934 = vector.shape_cast %swap3A_933 : vector<1x16xf32> to vector<16xf32>
      %swap3A_935 = vector.shape_cast %scan3A_894#7 : vector<16xf32> to vector<1x16xf32>
      tpu.vector_store %arg7[%swap3A_931, %swap3A_932], %swap3A_935 {strides = array<i32>} : memref<128x128xf32, #tpu.memory_space<vmem>>, vector<1x16xf32>,
      %add3A_936 = arith.constant 7 : i32
      %add3A_937 = arith.addi %mul3A_231, %add3A_936 : i32
      %add3A_938 = arith.constant 8 : i32
      %add3A_939 = arith.addi %add3A_937, %add3A_938 : i32
      %sub3A_940 = arith.constant 1 : i32
      %sub3A_941 = arith.subi %add3A_939, %sub3A_940 : i32
      %min3A_942 = arith.constant 127 : i32
      %min3A_943 = arith.minsi %sub3A_941, %min3A_942 : i32
      %dma_start3A_944 = arith.constant 6 : i32
      %dma_start3A_945 = arith.constant 6 : i32
      %dma_start3A_946 = arith.constant 0 : i32
      %dma_start3A_947 = arith.constant 0 : i32
      %dma_start3A_948 = tpu.memref_slice %arg6[%dma_start3A_944, %dma_start3A_946, %dma_start3A_947] : memref<8x50x128xf32, #tpu.memory_space<vmem>> -> memref<1x50x128xf32, #tpu.memory_space<vmem>>
      %dma_start3A_949 = tpu.memref_squeeze %dma_start3A_948 : memref<1x50x128xf32, #tpu.memory_space<vmem>> -> memref<50x128xf32, #tpu.memory_space<vmem>>
      %dma_start3A_950 = arith.constant 0 : i32
      %dma_start3A_951 = tpu.memref_slice %arg5[%min3A_943, %dma_start3A_950] : memref<128x128xi32, #tpu.memory_space<vmem>> -> memref<1x50xi32, #tpu.memory_space<vmem>>
      %dma_start3A_952 = tpu.memref_squeeze %dma_start3A_951 : memref<1x50xi32, #tpu.memory_space<vmem>> -> memref<50xi32, #tpu.memory_space<vmem>>
      %dma_start3A_953 = arith.constant 0 : i32
      %dma_start3A_954 = arith.constant 0 : i32
      %dma_start3A_955 = tpu.memref_slice %arg3[%dma_start3A_953, %dma_start3A_954] : memref<100000x128xf32, #tpu.memory_space<hbm>> -> memref<100000x128xf32, #tpu.memory_space<hbm>>
      %dma_start3A_956 = tpu.memref_slice %arg8[%dma_start3A_945] : memref<8x!tpu.dma_semaphore, #tpu.memory_space<semaphore_mem>> -> memref<1x!tpu.dma_semaphore, #tpu.memory_space<semaphore_mem>>
      %dma_start3A_957 = tpu.memref_squeeze %dma_start3A_956 : memref<1x!tpu.dma_semaphore, #tpu.memory_space<semaphore_mem>> -> memref<!tpu.dma_semaphore, #tpu.memory_space<semaphore_mem>>
      tpu.enqueue_indirect_dma source(%dma_start3A_955 : memref<100000x128xf32, #tpu.memory_space<hbm>>) target(%dma_start3A_949 : memref<50x128xf32, #tpu.memory_space<vmem>>) offsets(%dma_start3A_952 : memref<50xi32, #tpu.memory_space<vmem>>) semaphore(%dma_start3A_957 : memref<!tpu.dma_semaphore, #tpu.memory_space<semaphore_mem>>)
      %dma_wait3A_958 = arith.constant 0 : i32
      %dma_wait3A_959 = arith.constant 7 : i32
      %dma_wait3A_960 = arith.constant 7 : i32
      %dma_wait3A_961 = arith.constant 0 : i32
      %dma_wait3A_962 = arith.constant 0 : i32
      %dma_wait3A_963 = tpu.memref_slice %arg6[%dma_wait3A_959, %dma_wait3A_961, %dma_wait3A_962] : memref<8x50x128xf32, #tpu.memory_space<vmem>> -> memref<1x50x128xf32, #tpu.memory_space<vmem>>
      %dma_wait3A_964 = tpu.memref_squeeze %dma_wait3A_963 : memref<1x50x128xf32, #tpu.memory_space<vmem>> -> memref<50x128xf32, #tpu.memory_space<vmem>>
      %dma_wait3A_965 = arith.constant 0 : i32
      %dma_wait3A_966 = tpu.memref_slice %arg5[%dma_wait3A_958, %dma_wait3A_965] : memref<128x128xi32, #tpu.memory_space<vmem>> -> memref<1x50xi32, #tpu.memory_space<vmem>>
      %dma_wait3A_967 = tpu.memref_squeeze %dma_wait3A_966 : memref<1x50xi32, #tpu.memory_space<vmem>> -> memref<50xi32, #tpu.memory_space<vmem>>
      %dma_wait3A_968 = arith.constant 0 : i32
      %dma_wait3A_969 = arith.constant 0 : i32
      %dma_wait3A_970 = tpu.memref_slice %arg3[%dma_wait3A_968, %dma_wait3A_969] : memref<100000x128xf32, #tpu.memory_space<hbm>> -> memref<100000x128xf32, #tpu.memory_space<hbm>>
      %dma_wait3A_971 = tpu.memref_slice %arg8[%dma_wait3A_960] : memref<8x!tpu.dma_semaphore, #tpu.memory_space<semaphore_mem>> -> memref<1x!tpu.dma_semaphore, #tpu.memory_space<semaphore_mem>>
      %dma_wait3A_972 = tpu.memref_squeeze %dma_wait3A_971 : memref<1x!tpu.dma_semaphore, #tpu.memory_space<semaphore_mem>> -> memref<!tpu.dma_semaphore, #tpu.memory_space<semaphore_mem>>
      tpu.wait_indirect_dma semaphore(%dma_wait3A_972 : memref<!tpu.dma_semaphore, #tpu.memory_space<semaphore_mem>>) src(%dma_wait3A_970 : memref<100000x128xf32, #tpu.memory_space<hbm>>) dst(%dma_wait3A_964 : memref<50x128xf32, #tpu.memory_space<vmem>>)
      %add3A_973 = arith.constant 7 : i32
      %add3A_974 = arith.addi %mul3A_231, %add3A_973 : i32
      %broadcast_in_dim3A_975 = arith.constant 0.000000e+00 : f32
      %broadcast_in_dim3A_976 = vector.broadcast %broadcast_in_dim3A_975 : f32 to vector<16xf32>
      %broadcast_in_dim3A_977 = arith.constant 0.000000e+00 : f32
      %broadcast_in_dim3A_978 = vector.broadcast %broadcast_in_dim3A_977 : f32 to vector<16xf32>
      %broadcast_in_dim3A_979 = arith.constant 0.000000e+00 : f32
      %broadcast_in_dim3A_980 = vector.broadcast %broadcast_in_dim3A_979 : f32 to vector<16xf32>
      %broadcast_in_dim3A_981 = arith.constant 0.000000e+00 : f32
      %broadcast_in_dim3A_982 = vector.broadcast %broadcast_in_dim3A_981 : f32 to vector<16xf32>
      %broadcast_in_dim3A_983 = arith.constant 0.000000e+00 : f32
      %broadcast_in_dim3A_984 = vector.broadcast %broadcast_in_dim3A_983 : f32 to vector<16xf32>
      %broadcast_in_dim3A_985 = arith.constant 0.000000e+00 : f32
      %broadcast_in_dim3A_986 = vector.broadcast %broadcast_in_dim3A_985 : f32 to vector<16xf32>
      %broadcast_in_dim3A_987 = arith.constant 0.000000e+00 : f32
      %broadcast_in_dim3A_988 = vector.broadcast %broadcast_in_dim3A_987 : f32 to vector<16xf32>
      %broadcast_in_dim3A_989 = arith.constant 0.000000e+00 : f32
      %broadcast_in_dim3A_990 = vector.broadcast %broadcast_in_dim3A_989 : f32 to vector<16xf32>
      %scan3A_991 = arith.constant 0 : i32
      %scan3A_992 = arith.constant 50 : i32
      %scan3A_993 = arith.addi %scan3A_991, %scan3A_992 : i32
      %scan3A_994 = arith.constant 1 : i32
      %scan3A_995:8 = scf.for %scan3A_1037 = %scan3A_991 to %scan3A_993 step %scan3A_994 iter_args(%scan3A_1038 = %broadcast_in_dim3A_976, %scan3A_1039 = %broadcast_in_dim3A_978, %scan3A_1040 = %broadcast_in_dim3A_980, %scan3A_1041 = %broadcast_in_dim3A_982, %scan3A_1042 = %broadcast_in_dim3A_984, %scan3A_1043 = %broadcast_in_dim3A_986, %scan3A_1044 = %broadcast_in_dim3A_988, %scan3A_1045 = %broadcast_in_dim3A_990) -> (vector<16xf32>, vector<16xf32>, vector<16xf32>, vector<16xf32>, vector<16xf32>, vector<16xf32>, vector<16xf32>, vector<16xf32>)  : i32 {
        %get3A = arith.constant 7 : i32
        %get3A_1046 = arith.index_cast %get3A : i32 to index
        %get3A_1047 = arith.index_cast %scan3A_1037 : i32 to index
        %get3A_1048 = arith.constant 0 : index
        %get3A_1049 = tpu.vector_load %arg6[%get3A_1046, %get3A_1047, %get3A_1048] {strides = array<i32>} : memref<8x50x128xf32, #tpu.memory_space<vmem>>, vector<1x1x16xf32>,
        %get3A_1050 = vector.shape_cast %get3A_1049 : vector<1x1x16xf32> to vector<16xf32>
        %add3A_1051 = arith.addf %scan3A_1038, %get3A_1050 : vector<16xf32>
        %get3A_1052 = arith.constant 7 : i32
        %get3A_1053 = arith.index_cast %get3A_1052 : i32 to index
        %get3A_1054 = arith.index_cast %scan3A_1037 : i32 to index
        %get3A_1055 = arith.constant 16 : index
        %get3A_1056 = tpu.vector_load %arg6[%get3A_1053, %get3A_1054, %get3A_1055] {strides = array<i32>} : memref<8x50x128xf32, #tpu.memory_space<vmem>>, vector<1x1x16xf32>,
        %get3A_1057 = vector.shape_cast %get3A_1056 : vector<1x1x16xf32> to vector<16xf32>
        %add3A_1058 = arith.addf %scan3A_1039, %get3A_1057 : vector<16xf32>
        %get3A_1059 = arith.constant 7 : i32
        %get3A_1060 = arith.index_cast %get3A_1059 : i32 to index
        %get3A_1061 = arith.index_cast %scan3A_1037 : i32 to index
        %get3A_1062 = arith.constant 32 : index
        %get3A_1063 = tpu.vector_load %arg6[%get3A_1060, %get3A_1061, %get3A_1062] {strides = array<i32>} : memref<8x50x128xf32, #tpu.memory_space<vmem>>, vector<1x1x16xf32>,
        %get3A_1064 = vector.shape_cast %get3A_1063 : vector<1x1x16xf32> to vector<16xf32>
        %add3A_1065 = arith.addf %scan3A_1040, %get3A_1064 : vector<16xf32>
        %get3A_1066 = arith.constant 7 : i32
        %get3A_1067 = arith.index_cast %get3A_1066 : i32 to index
        %get3A_1068 = arith.index_cast %scan3A_1037 : i32 to index
        %get3A_1069 = arith.constant 48 : index
        %get3A_1070 = tpu.vector_load %arg6[%get3A_1067, %get3A_1068, %get3A_1069] {strides = array<i32>} : memref<8x50x128xf32, #tpu.memory_space<vmem>>, vector<1x1x16xf32>,
        %get3A_1071 = vector.shape_cast %get3A_1070 : vector<1x1x16xf32> to vector<16xf32>
        %add3A_1072 = arith.addf %scan3A_1041, %get3A_1071 : vector<16xf32>
        %get3A_1073 = arith.constant 7 : i32
        %get3A_1074 = arith.index_cast %get3A_1073 : i32 to index
        %get3A_1075 = arith.index_cast %scan3A_1037 : i32 to index
        %get3A_1076 = arith.constant 64 : index
        %get3A_1077 = tpu.vector_load %arg6[%get3A_1074, %get3A_1075, %get3A_1076] {strides = array<i32>} : memref<8x50x128xf32, #tpu.memory_space<vmem>>, vector<1x1x16xf32>,
        %get3A_1078 = vector.shape_cast %get3A_1077 : vector<1x1x16xf32> to vector<16xf32>
        %add3A_1079 = arith.addf %scan3A_1042, %get3A_1078 : vector<16xf32>
        %get3A_1080 = arith.constant 7 : i32
        %get3A_1081 = arith.index_cast %get3A_1080 : i32 to index
        %get3A_1082 = arith.index_cast %scan3A_1037 : i32 to index
        %get3A_1083 = arith.constant 80 : index
        %get3A_1084 = tpu.vector_load %arg6[%get3A_1081, %get3A_1082, %get3A_1083] {strides = array<i32>} : memref<8x50x128xf32, #tpu.memory_space<vmem>>, vector<1x1x16xf32>,
        %get3A_1085 = vector.shape_cast %get3A_1084 : vector<1x1x16xf32> to vector<16xf32>
        %add3A_1086 = arith.addf %scan3A_1043, %get3A_1085 : vector<16xf32>
        %get3A_1087 = arith.constant 7 : i32
        %get3A_1088 = arith.index_cast %get3A_1087 : i32 to index
        %get3A_1089 = arith.index_cast %scan3A_1037 : i32 to index
        %get3A_1090 = arith.constant 96 : index
        %get3A_1091 = tpu.vector_load %arg6[%get3A_1088, %get3A_1089, %get3A_1090] {strides = array<i32>} : memref<8x50x128xf32, #tpu.memory_space<vmem>>, vector<1x1x16xf32>,
        %get3A_1092 = vector.shape_cast %get3A_1091 : vector<1x1x16xf32> to vector<16xf32>
        %add3A_1093 = arith.addf %scan3A_1044, %get3A_1092 : vector<16xf32>
        %get3A_1094 = arith.constant 7 : i32
        %get3A_1095 = arith.index_cast %get3A_1094 : i32 to index
        %get3A_1096 = arith.index_cast %scan3A_1037 : i32 to index
        %get3A_1097 = arith.constant 112 : index
        %get3A_1098 = tpu.vector_load %arg6[%get3A_1095, %get3A_1096, %get3A_1097] {strides = array<i32>} : memref<8x50x128xf32, #tpu.memory_space<vmem>>, vector<1x1x16xf32>,
        %get3A_1099 = vector.shape_cast %get3A_1098 : vector<1x1x16xf32> to vector<16xf32>
        %add3A_1100 = arith.addf %scan3A_1045, %get3A_1099 : vector<16xf32>
        scf.yield %add3A_1051, %add3A_1058, %add3A_1065, %add3A_1072, %add3A_1079, %add3A_1086, %add3A_1093, %add3A_1100 : vector<16xf32>, vector<16xf32>, vector<16xf32>, vector<16xf32>, vector<16xf32>, vector<16xf32>, vector<16xf32>, vector<16xf32>
      }
      %scan3A_996 = arith.constant 50 : i32
      %swap3A_997 = arith.index_cast %add3A_974 : i32 to index
      %swap3A_998 = arith.constant 0 : index
      %swap3A_999 = tpu.vector_load %arg7[%swap3A_997, %swap3A_998] {strides = array<i32>} : memref<128x128xf32, #tpu.memory_space<vmem>>, vector<1x16xf32>,
      %swap3A_1000 = vector.shape_cast %swap3A_999 : vector<1x16xf32> to vector<16xf32>
      %swap3A_1001 = vector.shape_cast %scan3A_995#0 : vector<16xf32> to vector<1x16xf32>
      tpu.vector_store %arg7[%swap3A_997, %swap3A_998], %swap3A_1001 {strides = array<i32>} : memref<128x128xf32, #tpu.memory_space<vmem>>, vector<1x16xf32>,
      %swap3A_1002 = arith.index_cast %add3A_974 : i32 to index
      %swap3A_1003 = arith.constant 16 : index
      %swap3A_1004 = tpu.vector_load %arg7[%swap3A_1002, %swap3A_1003] {strides = array<i32>} : memref<128x128xf32, #tpu.memory_space<vmem>>, vector<1x16xf32>,
      %swap3A_1005 = vector.shape_cast %swap3A_1004 : vector<1x16xf32> to vector<16xf32>
      %swap3A_1006 = vector.shape_cast %scan3A_995#1 : vector<16xf32> to vector<1x16xf32>
      tpu.vector_store %arg7[%swap3A_1002, %swap3A_1003], %swap3A_1006 {strides = array<i32>} : memref<128x128xf32, #tpu.memory_space<vmem>>, vector<1x16xf32>,
      %swap3A_1007 = arith.index_cast %add3A_974 : i32 to index
      %swap3A_1008 = arith.constant 32 : index
      %swap3A_1009 = tpu.vector_load %arg7[%swap3A_1007, %swap3A_1008] {strides = array<i32>} : memref<128x128xf32, #tpu.memory_space<vmem>>, vector<1x16xf32>,
      %swap3A_1010 = vector.shape_cast %swap3A_1009 : vector<1x16xf32> to vector<16xf32>
      %swap3A_1011 = vector.shape_cast %scan3A_995#2 : vector<16xf32> to vector<1x16xf32>
      tpu.vector_store %arg7[%swap3A_1007, %swap3A_1008], %swap3A_1011 {strides = array<i32>} : memref<128x128xf32, #tpu.memory_space<vmem>>, vector<1x16xf32>,
      %swap3A_1012 = arith.index_cast %add3A_974 : i32 to index
      %swap3A_1013 = arith.constant 48 : index
      %swap3A_1014 = tpu.vector_load %arg7[%swap3A_1012, %swap3A_1013] {strides = array<i32>} : memref<128x128xf32, #tpu.memory_space<vmem>>, vector<1x16xf32>,
      %swap3A_1015 = vector.shape_cast %swap3A_1014 : vector<1x16xf32> to vector<16xf32>
      %swap3A_1016 = vector.shape_cast %scan3A_995#3 : vector<16xf32> to vector<1x16xf32>
      tpu.vector_store %arg7[%swap3A_1012, %swap3A_1013], %swap3A_1016 {strides = array<i32>} : memref<128x128xf32, #tpu.memory_space<vmem>>, vector<1x16xf32>,
      %swap3A_1017 = arith.index_cast %add3A_974 : i32 to index
      %swap3A_1018 = arith.constant 64 : index
      %swap3A_1019 = tpu.vector_load %arg7[%swap3A_1017, %swap3A_1018] {strides = array<i32>} : memref<128x128xf32, #tpu.memory_space<vmem>>, vector<1x16xf32>,
      %swap3A_1020 = vector.shape_cast %swap3A_1019 : vector<1x16xf32> to vector<16xf32>
      %swap3A_1021 = vector.shape_cast %scan3A_995#4 : vector<16xf32> to vector<1x16xf32>
      tpu.vector_store %arg7[%swap3A_1017, %swap3A_1018], %swap3A_1021 {strides = array<i32>} : memref<128x128xf32, #tpu.memory_space<vmem>>, vector<1x16xf32>,
      %swap3A_1022 = arith.index_cast %add3A_974 : i32 to index
      %swap3A_1023 = arith.constant 80 : index
      %swap3A_1024 = tpu.vector_load %arg7[%swap3A_1022, %swap3A_1023] {strides = array<i32>} : memref<128x128xf32, #tpu.memory_space<vmem>>, vector<1x16xf32>,
      %swap3A_1025 = vector.shape_cast %swap3A_1024 : vector<1x16xf32> to vector<16xf32>
      %swap3A_1026 = vector.shape_cast %scan3A_995#5 : vector<16xf32> to vector<1x16xf32>
      tpu.vector_store %arg7[%swap3A_1022, %swap3A_1023], %swap3A_1026 {strides = array<i32>} : memref<128x128xf32, #tpu.memory_space<vmem>>, vector<1x16xf32>,
      %swap3A_1027 = arith.index_cast %add3A_974 : i32 to index
      %swap3A_1028 = arith.constant 96 : index
      %swap3A_1029 = tpu.vector_load %arg7[%swap3A_1027, %swap3A_1028] {strides = array<i32>} : memref<128x128xf32, #tpu.memory_space<vmem>>, vector<1x16xf32>,
      %swap3A_1030 = vector.shape_cast %swap3A_1029 : vector<1x16xf32> to vector<16xf32>
      %swap3A_1031 = vector.shape_cast %scan3A_995#6 : vector<16xf32> to vector<1x16xf32>
      tpu.vector_store %arg7[%swap3A_1027, %swap3A_1028], %swap3A_1031 {strides = array<i32>} : memref<128x128xf32, #tpu.memory_space<vmem>>, vector<1x16xf32>,
      %swap3A_1032 = arith.index_cast %add3A_974 : i32 to index
      %swap3A_1033 = arith.constant 112 : index
      %swap3A_1034 = tpu.vector_load %arg7[%swap3A_1032, %swap3A_1033] {strides = array<i32>} : memref<128x128xf32, #tpu.memory_space<vmem>>, vector<1x16xf32>,
      %swap3A_1035 = vector.shape_cast %swap3A_1034 : vector<1x16xf32> to vector<16xf32>
      %swap3A_1036 = vector.shape_cast %scan3A_995#7 : vector<16xf32> to vector<1x16xf32>
      tpu.vector_store %arg7[%swap3A_1032, %swap3A_1033], %swap3A_1036 {strides = array<i32>} : memref<128x128xf32, #tpu.memory_space<vmem>>, vector<1x16xf32>,
    }
    %scan3A_124 = arith.constant 16 : i32
    %dma_wait3A = arith.constant 0 : i32
    %dma_wait3A_125 = arith.constant 0 : i32
    %dma_wait3A_126 = arith.constant 0 : i32
    %dma_wait3A_127 = arith.constant 0 : i32
    %dma_wait3A_128 = arith.constant 0 : i32
    %dma_wait3A_129 = tpu.memref_slice %arg6[%dma_wait3A_125, %dma_wait3A_127, %dma_wait3A_128] : memref<8x50x128xf32, #tpu.memory_space<vmem>> -> memref<1x50x128xf32, #tpu.memory_space<vmem>>
    %dma_wait3A_130 = tpu.memref_squeeze %dma_wait3A_129 : memref<1x50x128xf32, #tpu.memory_space<vmem>> -> memref<50x128xf32, #tpu.memory_space<vmem>>
    %dma_wait3A_131 = arith.constant 0 : i32
    %dma_wait3A_132 = tpu.memref_slice %arg5[%dma_wait3A, %dma_wait3A_131] : memref<128x128xi32, #tpu.memory_space<vmem>> -> memref<1x50xi32, #tpu.memory_space<vmem>>
    %dma_wait3A_133 = tpu.memref_squeeze %dma_wait3A_132 : memref<1x50xi32, #tpu.memory_space<vmem>> -> memref<50xi32, #tpu.memory_space<vmem>>
    %dma_wait3A_134 = arith.constant 0 : i32
    %dma_wait3A_135 = arith.constant 0 : i32
    %dma_wait3A_136 = tpu.memref_slice %arg3[%dma_wait3A_134, %dma_wait3A_135] : memref<100000x128xf32, #tpu.memory_space<hbm>> -> memref<100000x128xf32, #tpu.memory_space<hbm>>
    %dma_wait3A_137 = tpu.memref_slice %arg8[%dma_wait3A_126] : memref<8x!tpu.dma_semaphore, #tpu.memory_space<semaphore_mem>> -> memref<1x!tpu.dma_semaphore, #tpu.memory_space<semaphore_mem>>
    %dma_wait3A_138 = tpu.memref_squeeze %dma_wait3A_137 : memref<1x!tpu.dma_semaphore, #tpu.memory_space<semaphore_mem>> -> memref<!tpu.dma_semaphore, #tpu.memory_space<semaphore_mem>>
    tpu.wait_indirect_dma semaphore(%dma_wait3A_138 : memref<!tpu.dma_semaphore, #tpu.memory_space<semaphore_mem>>) src(%dma_wait3A_136 : memref<100000x128xf32, #tpu.memory_space<hbm>>) dst(%dma_wait3A_130 : memref<50x128xf32, #tpu.memory_space<vmem>>)
    %dma_wait3A_139 = arith.constant 0 : i32
    %dma_wait3A_140 = arith.constant 1 : i32
    %dma_wait3A_141 = arith.constant 1 : i32
    %dma_wait3A_142 = arith.constant 0 : i32
    %dma_wait3A_143 = arith.constant 0 : i32
    %dma_wait3A_144 = tpu.memref_slice %arg6[%dma_wait3A_140, %dma_wait3A_142, %dma_wait3A_143] : memref<8x50x128xf32, #tpu.memory_space<vmem>> -> memref<1x50x128xf32, #tpu.memory_space<vmem>>
    %dma_wait3A_145 = tpu.memref_squeeze %dma_wait3A_144 : memref<1x50x128xf32, #tpu.memory_space<vmem>> -> memref<50x128xf32, #tpu.memory_space<vmem>>
    %dma_wait3A_146 = arith.constant 0 : i32
    %dma_wait3A_147 = tpu.memref_slice %arg5[%dma_wait3A_139, %dma_wait3A_146] : memref<128x128xi32, #tpu.memory_space<vmem>> -> memref<1x50xi32, #tpu.memory_space<vmem>>
    %dma_wait3A_148 = tpu.memref_squeeze %dma_wait3A_147 : memref<1x50xi32, #tpu.memory_space<vmem>> -> memref<50xi32, #tpu.memory_space<vmem>>
    %dma_wait3A_149 = arith.constant 0 : i32
    %dma_wait3A_150 = arith.constant 0 : i32
    %dma_wait3A_151 = tpu.memref_slice %arg3[%dma_wait3A_149, %dma_wait3A_150] : memref<100000x128xf32, #tpu.memory_space<hbm>> -> memref<100000x128xf32, #tpu.memory_space<hbm>>
    %dma_wait3A_152 = tpu.memref_slice %arg8[%dma_wait3A_141] : memref<8x!tpu.dma_semaphore, #tpu.memory_space<semaphore_mem>> -> memref<1x!tpu.dma_semaphore, #tpu.memory_space<semaphore_mem>>
    %dma_wait3A_153 = tpu.memref_squeeze %dma_wait3A_152 : memref<1x!tpu.dma_semaphore, #tpu.memory_space<semaphore_mem>> -> memref<!tpu.dma_semaphore, #tpu.memory_space<semaphore_mem>>
    tpu.wait_indirect_dma semaphore(%dma_wait3A_153 : memref<!tpu.dma_semaphore, #tpu.memory_space<semaphore_mem>>) src(%dma_wait3A_151 : memref<100000x128xf32, #tpu.memory_space<hbm>>) dst(%dma_wait3A_145 : memref<50x128xf32, #tpu.memory_space<vmem>>)
    %dma_wait3A_154 = arith.constant 0 : i32
    %dma_wait3A_155 = arith.constant 2 : i32
    %dma_wait3A_156 = arith.constant 2 : i32
    %dma_wait3A_157 = arith.constant 0 : i32
    %dma_wait3A_158 = arith.constant 0 : i32
    %dma_wait3A_159 = tpu.memref_slice %arg6[%dma_wait3A_155, %dma_wait3A_157, %dma_wait3A_158] : memref<8x50x128xf32, #tpu.memory_space<vmem>> -> memref<1x50x128xf32, #tpu.memory_space<vmem>>
    %dma_wait3A_160 = tpu.memref_squeeze %dma_wait3A_159 : memref<1x50x128xf32, #tpu.memory_space<vmem>> -> memref<50x128xf32, #tpu.memory_space<vmem>>
    %dma_wait3A_161 = arith.constant 0 : i32
    %dma_wait3A_162 = tpu.memref_slice %arg5[%dma_wait3A_154, %dma_wait3A_161] : memref<128x128xi32, #tpu.memory_space<vmem>> -> memref<1x50xi32, #tpu.memory_space<vmem>>
    %dma_wait3A_163 = tpu.memref_squeeze %dma_wait3A_162 : memref<1x50xi32, #tpu.memory_space<vmem>> -> memref<50xi32, #tpu.memory_space<vmem>>
    %dma_wait3A_164 = arith.constant 0 : i32
    %dma_wait3A_165 = arith.constant 0 : i32
    %dma_wait3A_166 = tpu.memref_slice %arg3[%dma_wait3A_164, %dma_wait3A_165] : memref<100000x128xf32, #tpu.memory_space<hbm>> -> memref<100000x128xf32, #tpu.memory_space<hbm>>
    %dma_wait3A_167 = tpu.memref_slice %arg8[%dma_wait3A_156] : memref<8x!tpu.dma_semaphore, #tpu.memory_space<semaphore_mem>> -> memref<1x!tpu.dma_semaphore, #tpu.memory_space<semaphore_mem>>
    %dma_wait3A_168 = tpu.memref_squeeze %dma_wait3A_167 : memref<1x!tpu.dma_semaphore, #tpu.memory_space<semaphore_mem>> -> memref<!tpu.dma_semaphore, #tpu.memory_space<semaphore_mem>>
    tpu.wait_indirect_dma semaphore(%dma_wait3A_168 : memref<!tpu.dma_semaphore, #tpu.memory_space<semaphore_mem>>) src(%dma_wait3A_166 : memref<100000x128xf32, #tpu.memory_space<hbm>>) dst(%dma_wait3A_160 : memref<50x128xf32, #tpu.memory_space<vmem>>)
    %dma_wait3A_169 = arith.constant 0 : i32
    %dma_wait3A_170 = arith.constant 3 : i32
    %dma_wait3A_171 = arith.constant 3 : i32
    %dma_wait3A_172 = arith.constant 0 : i32
    %dma_wait3A_173 = arith.constant 0 : i32
    %dma_wait3A_174 = tpu.memref_slice %arg6[%dma_wait3A_170, %dma_wait3A_172, %dma_wait3A_173] : memref<8x50x128xf32, #tpu.memory_space<vmem>> -> memref<1x50x128xf32, #tpu.memory_space<vmem>>
    %dma_wait3A_175 = tpu.memref_squeeze %dma_wait3A_174 : memref<1x50x128xf32, #tpu.memory_space<vmem>> -> memref<50x128xf32, #tpu.memory_space<vmem>>
    %dma_wait3A_176 = arith.constant 0 : i32
    %dma_wait3A_177 = tpu.memref_slice %arg5[%dma_wait3A_169, %dma_wait3A_176] : memref<128x128xi32, #tpu.memory_space<vmem>> -> memref<1x50xi32, #tpu.memory_space<vmem>>
    %dma_wait3A_178 = tpu.memref_squeeze %dma_wait3A_177 : memref<1x50xi32, #tpu.memory_space<vmem>> -> memref<50xi32, #tpu.memory_space<vmem>>
    %dma_wait3A_179 = arith.constant 0 : i32
    %dma_wait3A_180 = arith.constant 0 : i32
    %dma_wait3A_181 = tpu.memref_slice %arg3[%dma_wait3A_179, %dma_wait3A_180] : memref<100000x128xf32, #tpu.memory_space<hbm>> -> memref<100000x128xf32, #tpu.memory_space<hbm>>
    %dma_wait3A_182 = tpu.memref_slice %arg8[%dma_wait3A_171] : memref<8x!tpu.dma_semaphore, #tpu.memory_space<semaphore_mem>> -> memref<1x!tpu.dma_semaphore, #tpu.memory_space<semaphore_mem>>
    %dma_wait3A_183 = tpu.memref_squeeze %dma_wait3A_182 : memref<1x!tpu.dma_semaphore, #tpu.memory_space<semaphore_mem>> -> memref<!tpu.dma_semaphore, #tpu.memory_space<semaphore_mem>>
    tpu.wait_indirect_dma semaphore(%dma_wait3A_183 : memref<!tpu.dma_semaphore, #tpu.memory_space<semaphore_mem>>) src(%dma_wait3A_181 : memref<100000x128xf32, #tpu.memory_space<hbm>>) dst(%dma_wait3A_175 : memref<50x128xf32, #tpu.memory_space<vmem>>)
    %dma_wait3A_184 = arith.constant 0 : i32
    %dma_wait3A_185 = arith.constant 4 : i32
    %dma_wait3A_186 = arith.constant 4 : i32
    %dma_wait3A_187 = arith.constant 0 : i32
    %dma_wait3A_188 = arith.constant 0 : i32
    %dma_wait3A_189 = tpu.memref_slice %arg6[%dma_wait3A_185, %dma_wait3A_187, %dma_wait3A_188] : memref<8x50x128xf32, #tpu.memory_space<vmem>> -> memref<1x50x128xf32, #tpu.memory_space<vmem>>
    %dma_wait3A_190 = tpu.memref_squeeze %dma_wait3A_189 : memref<1x50x128xf32, #tpu.memory_space<vmem>> -> memref<50x128xf32, #tpu.memory_space<vmem>>
    %dma_wait3A_191 = arith.constant 0 : i32
    %dma_wait3A_192 = tpu.memref_slice %arg5[%dma_wait3A_184, %dma_wait3A_191] : memref<128x128xi32, #tpu.memory_space<vmem>> -> memref<1x50xi32, #tpu.memory_space<vmem>>
    %dma_wait3A_193 = tpu.memref_squeeze %dma_wait3A_192 : memref<1x50xi32, #tpu.memory_space<vmem>> -> memref<50xi32, #tpu.memory_space<vmem>>
    %dma_wait3A_194 = arith.constant 0 : i32
    %dma_wait3A_195 = arith.constant 0 : i32
    %dma_wait3A_196 = tpu.memref_slice %arg3[%dma_wait3A_194, %dma_wait3A_195] : memref<100000x128xf32, #tpu.memory_space<hbm>> -> memref<100000x128xf32, #tpu.memory_space<hbm>>
    %dma_wait3A_197 = tpu.memref_slice %arg8[%dma_wait3A_186] : memref<8x!tpu.dma_semaphore, #tpu.memory_space<semaphore_mem>> -> memref<1x!tpu.dma_semaphore, #tpu.memory_space<semaphore_mem>>
    %dma_wait3A_198 = tpu.memref_squeeze %dma_wait3A_197 : memref<1x!tpu.dma_semaphore, #tpu.memory_space<semaphore_mem>> -> memref<!tpu.dma_semaphore, #tpu.memory_space<semaphore_mem>>
    tpu.wait_indirect_dma semaphore(%dma_wait3A_198 : memref<!tpu.dma_semaphore, #tpu.memory_space<semaphore_mem>>) src(%dma_wait3A_196 : memref<100000x128xf32, #tpu.memory_space<hbm>>) dst(%dma_wait3A_190 : memref<50x128xf32, #tpu.memory_space<vmem>>)
    %dma_wait3A_199 = arith.constant 0 : i32
    %dma_wait3A_200 = arith.constant 5 : i32
    %dma_wait3A_201 = arith.constant 5 : i32
    %dma_wait3A_202 = arith.constant 0 : i32
    %dma_wait3A_203 = arith.constant 0 : i32
    %dma_wait3A_204 = tpu.memref_slice %arg6[%dma_wait3A_200, %dma_wait3A_202, %dma_wait3A_203] : memref<8x50x128xf32, #tpu.memory_space<vmem>> -> memref<1x50x128xf32, #tpu.memory_space<vmem>>
    %dma_wait3A_205 = tpu.memref_squeeze %dma_wait3A_204 : memref<1x50x128xf32, #tpu.memory_space<vmem>> -> memref<50x128xf32, #tpu.memory_space<vmem>>
    %dma_wait3A_206 = arith.constant 0 : i32
    %dma_wait3A_207 = tpu.memref_slice %arg5[%dma_wait3A_199, %dma_wait3A_206] : memref<128x128xi32, #tpu.memory_space<vmem>> -> memref<1x50xi32, #tpu.memory_space<vmem>>
    %dma_wait3A_208 = tpu.memref_squeeze %dma_wait3A_207 : memref<1x50xi32, #tpu.memory_space<vmem>> -> memref<50xi32, #tpu.memory_space<vmem>>
    %dma_wait3A_209 = arith.constant 0 : i32
    %dma_wait3A_210 = arith.constant 0 : i32
    %dma_wait3A_211 = tpu.memref_slice %arg3[%dma_wait3A_209, %dma_wait3A_210] : memref<100000x128xf32, #tpu.memory_space<hbm>> -> memref<100000x128xf32, #tpu.memory_space<hbm>>
    %dma_wait3A_212 = tpu.memref_slice %arg8[%dma_wait3A_201] : memref<8x!tpu.dma_semaphore, #tpu.memory_space<semaphore_mem>> -> memref<1x!tpu.dma_semaphore, #tpu.memory_space<semaphore_mem>>
    %dma_wait3A_213 = tpu.memref_squeeze %dma_wait3A_212 : memref<1x!tpu.dma_semaphore, #tpu.memory_space<semaphore_mem>> -> memref<!tpu.dma_semaphore, #tpu.memory_space<semaphore_mem>>
    tpu.wait_indirect_dma semaphore(%dma_wait3A_213 : memref<!tpu.dma_semaphore, #tpu.memory_space<semaphore_mem>>) src(%dma_wait3A_211 : memref<100000x128xf32, #tpu.memory_space<hbm>>) dst(%dma_wait3A_205 : memref<50x128xf32, #tpu.memory_space<vmem>>)
    %dma_wait3A_214 = arith.constant 0 : i32
    %dma_wait3A_215 = arith.constant 6 : i32
    %dma_wait3A_216 = arith.constant 6 : i32
    %dma_wait3A_217 = arith.constant 0 : i32
    %dma_wait3A_218 = arith.constant 0 : i32
    %dma_wait3A_219 = tpu.memref_slice %arg6[%dma_wait3A_215, %dma_wait3A_217, %dma_wait3A_218] : memref<8x50x128xf32, #tpu.memory_space<vmem>> -> memref<1x50x128xf32, #tpu.memory_space<vmem>>
    %dma_wait3A_220 = tpu.memref_squeeze %dma_wait3A_219 : memref<1x50x128xf32, #tpu.memory_space<vmem>> -> memref<50x128xf32, #tpu.memory_space<vmem>>
    %dma_wait3A_221 = arith.constant 0 : i32
    %dma_wait3A_222 = tpu.memref_slice %arg5[%dma_wait3A_214, %dma_wait3A_221] : memref<128x128xi32, #tpu.memory_space<vmem>> -> memref<1x50xi32, #tpu.memory_space<vmem>>
    %dma_wait3A_223 = tpu.memref_squeeze %dma_wait3A_222 : memref<1x50xi32, #tpu.memory_space<vmem>> -> memref<50xi32, #tpu.memory_space<vmem>>
    %dma_wait3A_224 = arith.constant 0 : i32
    %dma_wait3A_225 = arith.constant 0 : i32
    %dma_wait3A_226 = tpu.memref_slice %arg3[%dma_wait3A_224, %dma_wait3A_225] : memref<100000x128xf32, #tpu.memory_space<hbm>> -> memref<100000x128xf32, #tpu.memory_space<hbm>>
    %dma_wait3A_227 = tpu.memref_slice %arg8[%dma_wait3A_216] : memref<8x!tpu.dma_semaphore, #tpu.memory_space<semaphore_mem>> -> memref<1x!tpu.dma_semaphore, #tpu.memory_space<semaphore_mem>>
    %dma_wait3A_228 = tpu.memref_squeeze %dma_wait3A_227 : memref<1x!tpu.dma_semaphore, #tpu.memory_space<semaphore_mem>> -> memref<!tpu.dma_semaphore, #tpu.memory_space<semaphore_mem>>
    tpu.wait_indirect_dma semaphore(%dma_wait3A_228 : memref<!tpu.dma_semaphore, #tpu.memory_space<semaphore_mem>>) src(%dma_wait3A_226 : memref<100000x128xf32, #tpu.memory_space<hbm>>) dst(%dma_wait3A_220 : memref<50x128xf32, #tpu.memory_space<vmem>>)
    "tpu.region"() ({
      %run_scoped3A = tpu.sem_alloc : memref<!tpu.dma_semaphore, #tpu.memory_space<semaphore_mem>>
      %dma_start3A_229 = arith.constant 0 : i32
      %dma_start3A_230 = tpu.memref_slice %arg4[%mul3A_2, %dma_start3A_229] : memref<4096x128xf32, #tpu.memory_space<hbm>> -> memref<128x128xf32, #tpu.memory_space<hbm>>
      %dma_start3A_231 = arith.constant 0 : i32
      %dma_start3A_232 = tpu.memref_slice %arg4[%mul3A_2, %dma_start3A_231] : memref<4096x128xf32, #tpu.memory_space<hbm>> -> memref<128x128xf32, #tpu.memory_space<hbm>>
      tpu.enqueue_dma source(%arg7 : memref<128x128xf32, #tpu.memory_space<vmem>>) target(%dma_start3A_232 : memref<128x128xf32, #tpu.memory_space<hbm>>) target_semaphore(%run_scoped3A : memref<!tpu.dma_semaphore, #tpu.memory_space<semaphore_mem>>)
      %dma_wait3A_233 = arith.constant 0 : i32
      %dma_wait3A_234 = tpu.memref_slice %arg4[%mul3A_2, %dma_wait3A_233] : memref<4096x128xf32, #tpu.memory_space<hbm>> -> memref<128x128xf32, #tpu.memory_space<hbm>>
      %dma_wait3A_235 = arith.constant 0 : i32
      %dma_wait3A_236 = tpu.memref_slice %arg4[%mul3A_2, %dma_wait3A_235] : memref<4096x128xf32, #tpu.memory_space<hbm>> -> memref<128x128xf32, #tpu.memory_space<hbm>>
      tpu.wait_dma2 semaphore(%run_scoped3A : memref<!tpu.dma_semaphore, #tpu.memory_space<semaphore_mem>>) src(%arg7 : memref<128x128xf32, #tpu.memory_space<vmem>>) dst(%dma_wait3A_236 : memref<128x128xf32, #tpu.memory_space<hbm>>)
      tpu.yield
    }) : () -> ()
    return
  }
}

module attributes {stable_mosaic.version = 14 : i64} {
  func.func @_mm_body(%arg0: i32, %arg1: memref<1000x128xf32, #tpu.memory_space<vmem>>, %arg2: memref<2048x128xf32, #tpu.memory_space<vmem>>, %arg3: memref<1000x1xf32, #tpu.memory_space<vmem>>, %arg4: memref<1000x2048xf32, #tpu.memory_space<vmem>>) attributes {dimension_semantics = [#tpu.dimension_semantics<arbitrary>], iteration_bounds = array<i64: 2>, scalar_prefetch = 0 : i64, scratch_operands = 0 : i64, tpu.core_type = #tpu.core_type<tc>, window_params = [{pipeline_mode = #tpu.pipeline_mode<synchronous>, transform_indices = @transform_0, window_bounds = array<i64: 1000, 128>}, {transform_indices = @transform_1, window_bounds = array<i64: 2048, 128>}, {pipeline_mode = #tpu.pipeline_mode<synchronous>, transform_indices = @transform_2, window_bounds = array<i64: 1000, 1>}, {transform_indices = @transform_3, window_bounds = array<i64: 1000, 2048>}]} {
    %get3A = arith.constant 0 : index
    %get3A_0 = arith.constant 0 : index
    %get3A_1 = vector.load %arg1[%get3A, %get3A_0] : memref<1000x128xf32, #tpu.memory_space<vmem>>, vector<1000x128xf32>
    %get3A_2 = arith.constant 0 : index
    %get3A_3 = arith.constant 0 : index
    %get3A_4 = vector.load %arg2[%get3A_2, %get3A_3] : memref<2048x128xf32, #tpu.memory_space<vmem>>, vector<2048x128xf32>
    %mul3A = arith.constant 2.000000e-02 : f32
    %mul3A_5 = vector.broadcast %mul3A : f32 to vector<2048x128xf32>
    %mul3A_6 = arith.mulf %get3A_4, %mul3A_5 : vector<2048x128xf32>
    %dot_general3A = arith.constant dense<0.000000e+00> : vector<1000x2048xf32>
    %dot_general3A_7 = tpu.matmul %get3A_1, %mul3A_6, %dot_general3A {dimension_numbers = #tpu.dot_dimension_numbers<[1], [1], [0], [0], [0, 0, 1, 0], [], []>, transpose_lhs_hint = false} : vector<1000x128xf32>, vector<2048x128xf32>, vector<1000x2048xf32> -> vector<1000x2048xf32>
    %get3A_8 = arith.constant 0 : index
    %get3A_9 = arith.constant 0 : index
    %get3A_10 = vector.load %arg3[%get3A_8, %get3A_9] : memref<1000x1xf32, #tpu.memory_space<vmem>>, vector<1000x1xf32>
    %add3A = vector.broadcast %get3A_10 : vector<1000x1xf32> to vector<1000x2048xf32>
    %add3A_11 = arith.addf %dot_general3A_7, %add3A : vector<1000x2048xf32>
    %swap3A = arith.constant 0 : index
    %swap3A_12 = arith.constant 0 : index
    %swap3A_13 = vector.load %arg4[%swap3A, %swap3A_12] : memref<1000x2048xf32, #tpu.memory_space<vmem>>, vector<1000x2048xf32>
    tpu.vector_store %arg4[%swap3A, %swap3A_12], %add3A_11 {strides = array<i32>} : memref<1000x2048xf32, #tpu.memory_space<vmem>>, vector<1000x2048xf32>,
    return
  }
  func.func @transform_0(%arg0: i32) -> (i32, i32) {
    %c0_i32 = arith.constant 0 : i32
    %c0_i32_0 = arith.constant 0 : i32
    %c0_i32_1 = arith.constant 0 : i32
    return %c0_i32, %c0_i32_0 : i32, i32
  }
  func.func @transform_1(%arg0: i32) -> (i32, i32) {
    %c0_i32 = arith.constant 0 : i32
    %c0_i32_0 = arith.constant 0 : i32
    return %arg0, %c0_i32 : i32, i32
  }
  func.func @transform_2(%arg0: i32) -> (i32, i32) {
    %c0_i32 = arith.constant 0 : i32
    %c0_i32_0 = arith.constant 0 : i32
    %c0_i32_1 = arith.constant 0 : i32
    return %c0_i32, %c0_i32_0 : i32, i32
  }
  func.func @transform_3(%arg0: i32) -> (i32, i32) {
    %c0_i32 = arith.constant 0 : i32
    %c0_i32_0 = arith.constant 0 : i32
    return %c0_i32, %arg0 : i32, i32
  }
}

</mosaic_0001>

<sc_bundles>
// kernel: kernel.4.cloned.1.call-start
scs
__scs_entry_jumppad:
0x0: {  	(pc) =	sbr.rel $0x88, $3  }
0x1: {  	(tag) =	ssettag $0x0;
	lr =	simm.s32 $0x1  }
0x2: {  	[smem:$0x3F9D] =	sst lr;
	_ =	strace $0xD0000000  }
0x3: {  	_ = 	snop  }
0x4: {  	_ = 	snop  }
0x5: {  	_ = 	snop  }
0x6: {  	_ = 	snop  }
0x7: {  	_ = 	snop  }
__scs_overlays_trampoline_lowered:
0x8: {  	[smem:$0x3FAC] =	sst s0  }
0x9: {  	[smem:$0x3FAD] =	sst s1  }
0xa: {  	[smem:$0x3FAE] =	sst s2  }
0xb: {  	[smem:$0x3FAF] =	sst s3  }
0xc: {  	[smem:$0x3FB0] =	sst s4  }
0xd: {  	[smem:$0x3FB1] =	sst s5  }
0xe: {  	[smem:$0x3FB2] =	sst s6  }
0xf: {  	[smem:$0x3FB3] =	sst s7  }
0x10: {  	[smem:$0x3FB4] =	sst s8  }
0x11: {  	[smem:$0x3FB5] =	sst s9;
	s0 =	simm.s32 @!p0 $0x0  }
0x12: {  	s1 =	sld [smem:$0x3F9B];
	s0 =	simm.s32 @p0 $0x1  }
0x13: {  	[smem:$0x3FB6] =	sst s0;
	s0 =	simm.s32 @!p1 $0x0  }
0x14: {  	s2 =	sld [smem:$0x3F9A];
	s0 =	simm.s32 @p1 $0x1  }
0x15: {  	[smem:$0x3FB7] =	sst s0;
	s0 =	simm.s32 @!p2 $0x0  }
0x16: {  	s3 =	sld [smem:$0x3FDB];
	s0 =	simm.s32 @p2 $0x1  }
0x17: {  	s4 =	simm.s32 $0x1BF5;
	[smem:$0x3FB9] =	sst s0  }
0x18: {  	s0 =	sld [smem:$0x3F9C];
	_ =	swait.ge [sflag:s4], $0x0  }
0x19: {  	s7 =	sld [smem:$0x3F9D]  }
0x1a: {  	s8 =	sadd.s32 $0xFFFFE003, lr  }
0x1b: {  	s9 =	sadd.s32 $0xFFFFFEF7, lr;
	s5 =	simm.s32 $0xFFFFFFFF;
	p2 =	slt.u32 s8, $0xFFFFF086  }
0x1c: {  	p1 =	slt.u32 s9, $0xF7A;
	s5 =	simm.s32 @!p2 $0x0  }
0x1d: {  	s5 =	simm.s32 @p1 $0x1;
	p0 =	seq.s32 s7, s2  }
0x1e: {  	s7 =	smul.u32 @!p0 $0xF7A, s2;
	p2 =	seq.s32 @!p0 s5, $0x0  }
0x1f: {  	s9 =	smul.u32 $0xF7A, s1;
	s8 =	simm.s32 @!p0 $0x1BF5;
	p2 =	por !p2, p0  }
0x20: {  	[sflag:s8] =	ssyncset.s32 @!p0 $0xFFFFF086;
	s6 =	sadd.s32 @!p0 s3, s7;
	s7 =	simm.s32 @!p0 $0x108  }
0x21: {  	s3 =	sadd.s32 s3, s9;
	s6 =	sadd.s32 @!p0 $0x88, s6;
	s7 =	simm.s32 @p2 $0x1082  }
0x22: {  	[simem:s7], [sflag:s8] =	dma.local @!p0 [hbm:s6], $0xF7A  }
0x23: {  	s9 =	sor.u32 $0xD0000000, s2;
	s6 =	simm.s32 $0x108;
	_ =	swait.ge @!p0 [sflag:s8], $0x0  }
0x24: {  	s3 =	sadd.s32 $0x88, s3;
	s6 =	simm.s32 @!p1 $0x1082;
	[sflag:s4] =	ssyncset.s32 $0xFFFFF086  }
0x25: {  	[simem:s6], [sflag:s4] =	dma.local [hbm:s3], $0xF7A  }
0x26: {  	[smem:$0x3F9D] =	sst s1;
	(tag) =	ssettag s2;
	_ =	strace s9  }
0x27: {  	s1 =	sld [smem:$0x3FAD]  }
0x28: {  	s2 =	sld [smem:$0x3FAE]  }
0x29: {  	s4 =	sld [smem:$0x3FB0]  }
0x2a: {  	p0 =	seq.s32 s5, $0x0;
	s5 =	sld [smem:$0x3FB1]  }
0x2b: {  	s6 =	sld [smem:$0x3FB2]  }
0x2c: {  	s7 =	sld [smem:$0x3FB3]  }
0x2d: {  	s3 =	simm.s32 $0x108;
	s8 =	sld [smem:$0x3FB4]  }
0x2e: {  	s3 =	simm.s32 @!p0 $0x1082;
	s9 =	sld [smem:$0x3FB5]  }
0x2f: {  	lr =	sadd.s32 s0, s3;
	s0 =	sld [smem:$0x3FAC]  }
0x30: {  	s3 =	sld [smem:$0x3FAF]  }
0x31: {  	[smem:$0x3FB8] =	sst s10  }
0x32: {  	s10 =	sld [smem:$0x3FB6];
	_ =	sdelay $0x3  }
0x33: {  	p0 =	seq.s32 s10, $0x1;
	s10 =	sld [smem:$0x3FB8];
	_ =	sdelay $0x3  }
0x34: {  	[smem:$0x3FB8] =	sst s10  }
0x35: {  	s10 =	sld [smem:$0x3FB7];
	_ =	sdelay $0x3  }
0x36: {  	p1 =	seq.s32 s10, $0x1;
	s10 =	sld [smem:$0x3FB8];
	_ =	sdelay $0x3  }
0x37: {  	[smem:$0x3FB8] =	sst s10  }
0x38: {  	s10 =	sld [smem:$0x3FB9]  }
0x39: {  	_ = 	snop;
	(pc) =	sbr.ind lr, $3  }
0x3a: {  	_ = 	snop  }
0x3b: {  	_ = 	snop  }
0x3c: {  	p2 =	seq.s32 s10, $0x1;
	s10 =	sld [smem:$0x3FB8]  }
0x3d: {  	_ =	shalt  }
0x3e: {  	_ =	shalt  }
0x3f: {  	_ =	shalt  }
0x40: {  	_ =	shalt  }
0x41: {  	_ =	shalt  }
0x42: {  	_ =	shalt  }
0x43: {  	_ =	shalt  }
0x44: {  	_ =	shalt  }
0x45: {  	_ =	shalt  }
0x46: {  	_ =	shalt  }
0x47: {  	_ =	shalt  }
0x48: {  	_ =	shalt  }
0x49: {  	_ =	shalt  }
0x4a: {  	_ =	shalt  }
0x4b: {  	_ =	shalt  }
0x4c: {  	_ =	shalt  }
0x4d: {  	_ =	shalt  }
0x4e: {  	_ =	shalt  }
0x4f: {  	_ =	shalt  }
0x50: {  	_ =	shalt  }
0x51: {  	_ =	shalt  }
0x52: {  	_ =	shalt  }
0x53: {  	_ =	shalt  }
0x54: {  	_ =	shalt  }
0x55: {  	_ =	shalt  }
0x56: {  	_ =	shalt  }
0x57: {  	_ =	shalt  }
0x58: {  	_ =	shalt  }
0x59: {  	_ =	shalt  }
0x5a: {  	_ =	shalt  }
0x5b: {  	_ =	shalt  }
0x5c: {  	_ =	shalt  }
0x5d: {  	_ =	shalt  }
0x5e: {  	_ =	shalt  }
0x5f: {  	_ =	shalt  }
0x60: {  	_ =	shalt  }
0x61: {  	_ =	shalt  }
0x62: {  	_ =	shalt  }
0x63: {  	_ =	shalt  }
0x64: {  	_ =	shalt  }
0x65: {  	_ =	shalt  }
0x66: {  	_ =	shalt  }
0x67: {  	_ =	shalt  }
0x68: {  	_ =	shalt  }
0x69: {  	_ =	shalt  }
0x6a: {  	_ =	shalt  }
0x6b: {  	_ =	shalt  }
0x6c: {  	_ =	shalt  }
0x6d: {  	_ =	shalt  }
0x6e: {  	_ =	shalt  }
0x6f: {  	_ =	shalt  }
0x70: {  	_ =	shalt  }
0x71: {  	_ =	shalt  }
0x72: {  	_ =	shalt  }
0x73: {  	_ =	shalt  }
0x74: {  	_ =	shalt  }
0x75: {  	_ =	shalt  }
0x76: {  	_ =	shalt  }
0x77: {  	_ =	shalt  }
0x78: {  	_ =	shalt  }
0x79: {  	_ =	shalt  }
0x7a: {  	_ =	shalt  }
0x7b: {  	_ =	shalt  }
0x7c: {  	_ =	shalt  }
0x7d: {  	_ =	shalt  }
0x7e: {  	_ =	shalt  }
0x7f: {  	_ =	shalt  }
0x80: {  	_ =	shalt  }
0x81: {  	_ =	shalt  }
0x82: {  	_ =	shalt  }
0x83: {  	_ =	shalt  }
0x84: {  	_ =	shalt  }
0x85: {  	_ =	shalt  }
0x86: {  	_ =	shalt  }
0x87: {  	_ =	shalt  }
.Lfunc_end0:
.L_simem_size_0:
called_computation_lowered:
.L_overlay_start_0:
0x88: {  	s2 =	sld [smem:$0x3FD9]  }
0x89: {  	s3 =	sld [smem:$0x3FFE];
	_ =	sdelay $0x1  }
0x8a: {  	s1 =	srdreg.scid  }
0x8b: {  	s0 =	sand.u32 $0x1, s1  }
0x8c: {  	s17 =	sshll.u32 s0, $0xA;
	s2 =	sadd.s32 s3, s2  }
0x8d: {  	s2 =	sadd.s32 s2, s17  }
0x8e: {  	[smem:$0x3FC4] =	sst s2  }
0x8f: {  	_ = 	snop  }
0x90: {  	s2 =	sld [smem:$0x3FC8]  }
0x91: {  	s18 =	sld [smem:$0x3FD0];
	(tm) =	ssettm $0x1  }
0x92: {  	s4 =	sld [smem:$0x3FFB];
	_ =	sdelay $0x3  }
0x93: {  	_ =	strace s4  }
0x94: {  	s4 =	sld [smem:$0x3FFC];
	_ =	sdelay $0x3  }
0x95: {  	_ =	strace s4  }
0x96: {  	s4 =	sld [smem:$0x3FFD];
	_ =	sdelay $0x3  }
0x97: {  	_ =	strace s4  }
0x98: {  	_ =	strace $0x8FFFFFFF  }
0x99: {  	s19 =	sld [smem:$0x3FDB];
	_ =	sdelay $0x1  }
0x9a: {  	s5 =	simm.s32 $_scs_section_size  }
0x9b: {  	s6 =	simm.s32 $_size__tile_overlayer_lowered;
	s7 =	simm.s32 $_tile_overlayer_lowered  }
0x9c: {  	s22 =	simm.s32 $0x1BFF;
	s21 =	sshll.u32 s7, $0x1;
	s4 =	sadd.s32 s5, s19  }
0x9d: {  	s8 =	simm.s32 $0x0;
	s20 =	sshll.u32 s6, $0x1;
	s6 =	sadd.s32 s21, s4  }
0x9e: {  	[timem:s8], [sflag:s22] =	dma.local [hbm:s6], s20  }
0x9f: {  	_ =	swait.ge [sflag:s22], s20  }
0xa0: {  	s5 =	ssub.s32 $0x0, s20;
	[sflag:s22] =	ssyncset.done $0x0  }
0xa1: {  	[sflag:s22] =	ssyncadd.s32 s5;
	_ =	sdelay $0x1  }
0xa2: {  	s23 =	simm.s32 $0x1B8B  }
0xa3: {  	_ =	swait.ge [sflag:s23], $0x1  }
0xa4: {  	[sflag:s23] =	ssyncset.done $0x0  }
0xa5: {  	s25 =	simm.s32 $0x1B8E;
	s24 =	sld [smem:$0x3FFE];
	[sflag:s23] =	ssyncadd.s32 $0xFFFFFFFF  }
0xa6: {  	s26 =	simm.s32 $execute0_lowered;
	[smem:$0x3FD2] =	sst s25  }
0xa7: {  	s6 =	sshll.u32 s26, $0x1;
	_ =	strace $0x80000046;
	[dreg:$0x1] =	wrdreg $0xFFFFFFFF  }
0xa8: {  	s28 =	simm.s32 $_size_execute0_lowered;
	s4 =	sadd.s32 s4, s6;
	[dreg:$0x0] =	wrdreg $0x0  }
0xa9: {  	s6 =	sshll.u32 s28, $0x1;
	[dreg:$0x2] =	wrdreg s4  }
0xaa: {  	[dreg:$0x3] =	wrdreg s6  }
0xab: {  	[dreg:$0x4] =	wrdreg $0xC0  }
0xac: {  	_ =	task [dreg:s8], $0x5FFFF  }
0xad: {  	[dreg:$0x1] =	wrdreg $0xFFFFFFFF  }
0xae: {  	[dreg:$0x0] =	wrdreg $0x60  }
0xaf: {  	[dreg:$0x2] =	wrdreg s18  }
0xb0: {  	[dreg:$0x3] =	wrdreg s2  }
0xb1: {  	[dreg:$0x4] =	wrdreg s24  }
0xb2: {  	[dreg:$0x5] =	wrdreg $0x9  }
0xb3: {  	_ =	task.clear_ibuf [dreg:s8], $0x6FFFF;
	_ =	strace $0x90000046  }
0xb4: {  	s29 =	simm.s32 $0x9;
	_ =	strace $0x80000048  }
0xb5: {  	_ =	swait.ge [sflag:s29], $0x1  }
0xb6: {  	[sflag:s29] =	ssyncadd.s32 $0xFFFFFFFF  }
0xb7: {  	_ =	strace $0x90000048  }
0xb8: {  	_ =	sfence  }
0xb9: {  	s30 =	sld [smem:$0x0];
	_ =	sdelay $0x2  }
0xba: {  	s31 =	sshll.u32 s1, $0xD;
	s1 =	sshrl.u32 s1, $0x2  }
0xbb: {  	s3 =	sand.u32 $0x4000, s31;
	s1 =	sadd.s32 s1, s30  }
0xbc: {  	s0 =	sor.u32 s3, s0;
	s1 =	sshll.u32 s1, $0x11  }
0xbd: {  	s0 =	sor.u32 s1, s0  }
0xbe: {  	s0 =	sadd.s32 $0x8F2B, s0  }
0xbf: {  	[sflag:s0] =	ssyncadd.remote.s32 $0x1  }
0xc0: {  	_ =	sfence.sel $0xFFFF  }
0xc1: {  	[dreg:$0x0] =	wrdreg $0xFFFFFFFF;
	(pc) =	sbr.abs _section_cstart, $3  }
0xc2: {  	[dreg:$0x1] =	wrdreg $0xFFFFFFFF  }
0xc3: {  	_ =	task.clear_ibuf [dreg:s8], $0x2FFFF;
	_ =	strace $0x9FFFFFFF  }
0xc4: {  	(tm) =	ssettm $0x7FFFFFFF  }
0xc5: {  	_ =	shalt  }
tec
execute0_lowered:
.L_overlay_start_1:
0x0: {  	(tag) =	ssettag $0x1  }
0x1: {  	s0 =	rddreg [dreg:$0x0]  }
0x2: {  	s2 =	rddreg [dreg:$0x1]  }
0x3: {  	s1 =	rddreg [dreg:$0x2]  }
0x4: {  	s3 =	srdreg.scid;
	s5 =	stileid.u32  }
0x5: {  	s7 =	simm.s32 $0x9;
	s8 =	simm.s32 $0x32;
	s9 =	simm.s32 $0x4000  }
0x6: {  	s11 =	simm.s32 $0x5C00;
	s13 =	simm.s32 $0x7800;
	s15 =	simm.s32 $0x9400  }
0x7: {  	s17 =	simm.s32 $0xB000;
	s19 =	simm.s32 $0xCC00;
	s21 =	simm.s32 $0xE800  }
0x8: {  	s22 =	simm.s32 $0x10400;
	s23 =	simm.s32 $0x1;
	s24 =	simm.s32 $0x2  }
0x9: {  	s25 =	simm.s32 $0x3;
	s28 =	simm.s32 $0x5;
	s29 =	simm.s32 $0x6  }
0xa: {  	s30 =	simm.s32 $0x7;
	s31 =	simm.s32 $0x8;
	s4 =	sand.u32 $0x1, s3  }
0xb: {  	s3 =	simm.s32 $0x0;
	s5 =	sshll.u32 s5, $0xC;
	s6 =	sshll.u32 s4, $0xB  }
0xc: {  	[smem:$0x7FF] =	sst s3;
	s4 =	ssub.s32 $0x2, s4;
	s5 =	sor.u32 s6, s5  }
0xd: {  	_ =	strace $0x80000047;
	s26 =	sshrl.u32 s4, $0x1;
	s1 =	sadd.s32 s5, s1  }
0xe: {  	s6 =	ssub.s32 s4, s26;
	s4 =	sadd.s32 s0, s5;
	s26 =	simm.s32 $0x4  }
0xf: {  	s5 =	sadd.s32 $0xA00, s1;
	s6 =	smax.u32 s6, $0x1;
	s1 =	simm.s32 $0x0  }
.LBB2_1:
0x10: {  	[tilespmem:s3], [sflag:$0x9] =	stream.linear.gather [hbm4b:s4+s3], $0x4000, $0x38;
	[tilespmem:$0x16000] =	vst v63  }
0x11: {  	_ =	swait.ge [sflag:s7], $0x4000  }
0x12: {  	[sflag:s7] =	ssyncset.done $0x0  }
0x13: {  	[sflag:s7] =	ssyncadd.s32 $0xFFFFC000  }
0x14: {  	[tilespmem:s9], [sflag:$0x1] =	stream.indirect.gather [hbm4b:s2+s8], $0x80, s3, s8, $0xb8;
	[tilespmem:$0x16000] =	vst v63  }
0x15: {  	s0 =	simm.s32 $0x80  }
0x16: {  	[tilespmem:s11], [sflag:$0x2] =	stream.indirect.gather [hbm4b:s2+s8], $0x80, s0, s8, $0xb8;
	[tilespmem:$0x16000] =	vst v63  }
0x17: {  	s12 =	simm.s32 $0x100  }
0x18: {  	[tilespmem:s13], [sflag:$0x3] =	stream.indirect.gather [hbm4b:s2+s8], $0x80, s12, s8, $0xb8;
	[tilespmem:$0x16000] =	vst v63  }
0x19: {  	s14 =	simm.s32 $0x180  }
0x1a: {  	[tilespmem:s15], [sflag:$0x4] =	stream.indirect.gather [hbm4b:s2+s8], $0x80, s14, s8, $0xb8;
	[tilespmem:$0x16000] =	vst v63  }
0x1b: {  	s16 =	simm.s32 $0x200  }
0x1c: {  	[tilespmem:s17], [sflag:$0x5] =	stream.indirect.gather [hbm4b:s2+s8], $0x80, s16, s8, $0xb8;
	[tilespmem:$0x16000] =	vst v63  }
0x1d: {  	s18 =	simm.s32 $0x280  }
0x1e: {  	[tilespmem:s19], [sflag:$0x6] =	stream.indirect.gather [hbm4b:s2+s8], $0x80, s18, s8, $0xb8;
	[tilespmem:$0x16000] =	vst v63  }
0x1f: {  	s20 =	simm.s32 $0x300;
	s10 =	simm.s32 $0x0  }
0x20: {  	[tilespmem:s21], [sflag:$0x7] =	stream.indirect.gather [hbm4b:s2+s8], $0x80, s20, s8, $0xb8;
	[tilespmem:$0x16000] =	vst v63  }
.LBB2_2:
0x21: {  	s16 =	sshll.u32 s10, $0xC  }
0x22: {  	s12 =	sor.u32 $0xE00, s16  }
0x23: {  	s12 =	sshra.s32 s12, $0x2  }
0x24: {  	[tilespmem:s22], [sflag:$0x8] =	stream.indirect.gather [hbm4b:s2+s8], $0x80, s12, s8, $0xb8;
	[tilespmem:$0x16000] =	vst v63  }
0x25: {  	_ =	swait.ge [sflag:s23], $0x1900  }
0x26: {  	[sflag:s23] =	ssyncset.done $0x0  }
0x27: {  	s0 =	simm.s32 $0x0;
	[sflag:s23] =	ssyncadd.s32 $0xFFFFE700  }
0x28: {  	v0 =	vld [tilespmem:s0+$0x4070]  }
0x29: {  	v2 =	vld [tilespmem:s0+$0x4000]  }
0x2a: {  	v3 =	vld [tilespmem:s0+$0x4010]  }
0x2b: {  	v11 =	vld [tilespmem:s0+$0x4020]  }
0x2c: {  	v10 =	vld [tilespmem:s0+$0x4030]  }
0x2d: {  	v1 =	vimm.f32 $0.0e+00;
	v7 =	vimm.f32 $0.0e+00;
	v4 =	vld [tilespmem:s0+$0x4040]  }
0x2e: {  	v9 =	vimm.f32 $0.0e+00;
	v5 =	vimm.f32 $0.0e+00;
	v8 =	vld [tilespmem:s0+$0x4050];
	v0 =	vadd.f32 v0, v1  }
0x2f: {  	s14 =	sshll.u32 s10, $0x3;
	s18 =	simm.s32 $0x80;
	s20 =	simm.s32 $0x400;
	v12 =	vld [tilespmem:s0+$0x4060];
	v6 =	vadd.f32 v2, v1;
	v3 =	vadd.f32 v3, v1;
	v2 =	vimm.f32 $0.0e+00  }
.LBB2_3:
0x30: {  	p0 =	sne.s32 s20, $0x6200;
	v13 =	vld [tilespmem:s18+$0x4070];
	v1 =	vadd.f32 v11, v1  }
0x31: {  	v14 =	vld [tilespmem:s18+$0x4000];
	v7 =	vadd.f32 v10, v7  }
0x32: {  	v15 =	vld [tilespmem:s18+$0x4010];
	v9 =	vadd.f32 v4, v9  }
.Ltmp0:
0x33: {  	v11 =	vld [tilespmem:s18+$0x4020];
	v5 =	vadd.f32 v8, v5;
	(pc) =	sbr.rel @p0 .LBB2_3-.Ltmp0, $4  }
0x34: {  	v10 =	vld [tilespmem:s18+$0x4030];
	v2 =	vadd.f32 v12, v2  }
0x35: {  	v4 =	vld [tilespmem:s18+$0x4040];
	v0 =	vadd.f32 v13, v0  }
0x36: {  	v6 =	vadd.f32 v14, v6;
	v8 =	vld [tilespmem:s18+$0x4050]  }
0x37: {  	v3 =	vadd.f32 v15, v3;
	v12 =	vld [tilespmem:s18+$0x4060];
	s18 =	sshra.s32 s20, $0x2;
	s20 =	sadd.s32 $0x200, s20  }
0x38: {  	v14 =	vld [tilespmem:s18+$0x4000]  }
0x39: {  	v15 =	vld [tilespmem:s18+$0x4010]  }
0x3a: {  	v16 =	vld [tilespmem:s18+$0x4020]  }
0x3b: {  	v13 =	vld [tilespmem:s18+$0x4070]  }
0x3c: {  	v7 =	vadd.f32 v10, v7;
	v10 =	vld [tilespmem:s18+$0x4060]  }
0x3d: {  	v17 =	vld [tilespmem:s18+$0x4030];
	v1 =	vadd.f32 v11, v1;
	v6 =	vadd.f32 v14, v6  }
0x3e: {  	v18 =	vld [tilespmem:s18+$0x4040];
	s16 =	sshra.s32 s16, $0x2;
	v3 =	vadd.f32 v15, v3  }
0x3f: {  	v11 =	vld [tilespmem:s18+$0x4050];
	v2 =	vadd.f32 v12, v2;
	v1 =	vadd.f32 v16, v1;
	[tilespmem:s16+$0x12000] =	vst v6  }
0x40: {  	v0 =	vadd.f32 v13, v0;
	[tilespmem:s16+$0x12010] =	vst v3  }
0x41: {  	v4 =	vadd.f32 v4, v9;
	v2 =	vadd.f32 v10, v2;
	[tilespmem:s16+$0x12020] =	vst v1  }
0x42: {  	v5 =	vadd.f32 v8, v5;
	v6 =	vadd.f32 v17, v7;
	[tilespmem:s16+$0x12070] =	vst v0  }
0x43: {  	v3 =	vadd.f32 v18, v4;
	[tilespmem:s16+$0x12060] =	vst v2  }
0x44: {  	s0 =	smin.u32 s14, $0x77;
	v1 =	vadd.f32 v11, v5;
	[tilespmem:s16+$0x12030] =	vst v6  }
0x45: {  	s0 =	sshll.u32 s0, $0x7;
	[tilespmem:s16+$0x12040] =	vst v3  }
0x46: {  	s0 =	sadd.s32 $0x400, s0;
	[tilespmem:s16+$0x12050] =	vst v1  }
0x47: {  	[tilespmem:s9], [sflag:$0x1] =	stream.indirect.gather [hbm4b:s2+s8], $0x80, s0, s8, $0xb8;
	[tilespmem:$0x16000] =	vst v63  }
0x48: {  	_ =	swait.ge [sflag:s24], $0x1900  }
0x49: {  	[sflag:s24] =	ssyncset.done $0x0  }
0x4a: {  	s0 =	simm.s32 $0x0;
	[sflag:s24] =	ssyncadd.s32 $0xFFFFE700  }
0x4b: {  	v0 =	vld [tilespmem:s0+$0x5C70]  }
0x4c: {  	v2 =	vld [tilespmem:s0+$0x5C00]  }
0x4d: {  	v3 =	vld [tilespmem:s0+$0x5C10]  }
0x4e: {  	v11 =	vld [tilespmem:s0+$0x5C20]  }
0x4f: {  	v10 =	vld [tilespmem:s0+$0x5C30]  }
0x50: {  	v8 =	vimm.f32 $0.0e+00;
	v1 =	vimm.f32 $0.0e+00;
	v7 =	vld [tilespmem:s0+$0x5C40]  }
0x51: {  	v4 =	vimm.f32 $0.0e+00;
	v6 =	vimm.f32 $0.0e+00;
	v9 =	vld [tilespmem:s0+$0x5C50];
	v0 =	vadd.f32 v0, v1  }
0x52: {  	s20 =	simm.s32 $0x400;
	s18 =	simm.s32 $0x80;
	v12 =	vld [tilespmem:s0+$0x5C60];
	v5 =	vadd.f32 v2, v1;
	v3 =	vadd.f32 v3, v1;
	v2 =	vimm.f32 $0.0e+00  }
.LBB2_5:
0x53: {  	p0 =	sne.s32 s20, $0x6200;
	v13 =	vld [tilespmem:s18+$0x5C70];
	v1 =	vadd.f32 v11, v1  }
0x54: {  	v14 =	vld [tilespmem:s18+$0x5C00];
	v6 =	vadd.f32 v10, v6  }
0x55: {  	v15 =	vld [tilespmem:s18+$0x5C10];
	v8 =	vadd.f32 v7, v8  }
.Ltmp1:
0x56: {  	v11 =	vld [tilespmem:s18+$0x5C20];
	v4 =	vadd.f32 v9, v4;
	(pc) =	sbr.rel @p0 .LBB2_5-.Ltmp1, $4  }
0x57: {  	v10 =	vld [tilespmem:s18+$0x5C30];
	v2 =	vadd.f32 v12, v2  }
0x58: {  	v7 =	vld [tilespmem:s18+$0x5C40];
	v0 =	vadd.f32 v13, v0  }
0x59: {  	v5 =	vadd.f32 v14, v5;
	v9 =	vld [tilespmem:s18+$0x5C50]  }
0x5a: {  	v3 =	vadd.f32 v15, v3;
	v12 =	vld [tilespmem:s18+$0x5C60];
	s18 =	sshra.s32 s20, $0x2;
	s20 =	sadd.s32 $0x200, s20  }
0x5b: {  	v14 =	vld [tilespmem:s18+$0x5C00]  }
0x5c: {  	v15 =	vld [tilespmem:s18+$0x5C10]  }
0x5d: {  	v16 =	vld [tilespmem:s18+$0x5C20]  }
0x5e: {  	v13 =	vld [tilespmem:s18+$0x5C70]  }
0x5f: {  	v6 =	vadd.f32 v10, v6;
	v10 =	vld [tilespmem:s18+$0x5C60]  }
0x60: {  	v17 =	vld [tilespmem:s18+$0x5C30];
	v1 =	vadd.f32 v11, v1;
	v5 =	vadd.f32 v14, v5  }
0x61: {  	v18 =	vld [tilespmem:s18+$0x5C40];
	v3 =	vadd.f32 v15, v3  }
0x62: {  	v11 =	vld [tilespmem:s18+$0x5C50];
	v2 =	vadd.f32 v12, v2;
	v1 =	vadd.f32 v16, v1;
	[tilespmem:s16+$0x12080] =	vst v5  }
0x63: {  	v0 =	vadd.f32 v13, v0;
	[tilespmem:s16+$0x12090] =	vst v3  }
0x64: {  	v7 =	vadd.f32 v7, v8;
	v2 =	vadd.f32 v10, v2;
	[tilespmem:s16+$0x120A0] =	vst v1  }
0x65: {  	v4 =	vadd.f32 v9, v4;
	v5 =	vadd.f32 v17, v6;
	[tilespmem:s16+$0x120F0] =	vst v0  }
0x66: {  	v3 =	vadd.f32 v18, v7;
	[tilespmem:s16+$0x120E0] =	vst v2  }
0x67: {  	s0 =	smin.u32 s14, $0x76;
	v1 =	vadd.f32 v11, v4;
	[tilespmem:s16+$0x120B0] =	vst v5  }
0x68: {  	s0 =	sshll.u32 s0, $0x7;
	[tilespmem:s16+$0x120C0] =	vst v3  }
0x69: {  	s0 =	sadd.s32 $0x480, s0;
	[tilespmem:s16+$0x120D0] =	vst v1  }
0x6a: {  	[tilespmem:s11], [sflag:$0x2] =	stream.indirect.gather [hbm4b:s2+s8], $0x80, s0, s8, $0xb8;
	[tilespmem:$0x16000] =	vst v63  }
0x6b: {  	_ =	swait.ge [sflag:s25], $0x1900  }
0x6c: {  	[sflag:s25] =	ssyncset.done $0x0  }
0x6d: {  	s0 =	simm.s32 $0x0;
	[sflag:s25] =	ssyncadd.s32 $0xFFFFE700  }
0x6e: {  	v0 =	vld [tilespmem:s0+$0x7870]  }
0x6f: {  	v2 =	vld [tilespmem:s0+$0x7800]  }
0x70: {  	v3 =	vld [tilespmem:s0+$0x7810]  }
0x71: {  	v11 =	vld [tilespmem:s0+$0x7820]  }
0x72: {  	v10 =	vld [tilespmem:s0+$0x7830]  }
0x73: {  	v8 =	vimm.f32 $0.0e+00;
	v1 =	vimm.f32 $0.0e+00;
	v7 =	vld [tilespmem:s0+$0x7840]  }
0x74: {  	v6 =	vimm.f32 $0.0e+00;
	v4 =	vimm.f32 $0.0e+00;
	v9 =	vld [tilespmem:s0+$0x7850];
	v0 =	vadd.f32 v0, v1  }
0x75: {  	s20 =	simm.s32 $0x400;
	s18 =	simm.s32 $0x80;
	v12 =	vld [tilespmem:s0+$0x7860];
	v5 =	vadd.f32 v2, v1;
	v3 =	vadd.f32 v3, v1;
	v2 =	vimm.f32 $0.0e+00  }
.LBB2_7:
0x76: {  	p0 =	sne.s32 s20, $0x6200;
	v13 =	vld [tilespmem:s18+$0x7870];
	v1 =	vadd.f32 v11, v1  }
0x77: {  	v14 =	vld [tilespmem:s18+$0x7800];
	v6 =	vadd.f32 v10, v6  }
0x78: {  	v15 =	vld [tilespmem:s18+$0x7810];
	v8 =	vadd.f32 v7, v8  }
.Ltmp2:
0x79: {  	v11 =	vld [tilespmem:s18+$0x7820];
	v4 =	vadd.f32 v9, v4;
	(pc) =	sbr.rel @p0 .LBB2_7-.Ltmp2, $4  }
0x7a: {  	v10 =	vld [tilespmem:s18+$0x7830];
	v2 =	vadd.f32 v12, v2  }
0x7b: {  	v7 =	vld [tilespmem:s18+$0x7840];
	v0 =	vadd.f32 v13, v0  }
0x7c: {  	v5 =	vadd.f32 v14, v5;
	v9 =	vld [tilespmem:s18+$0x7850]  }
0x7d: {  	v3 =	vadd.f32 v15, v3;
	v12 =	vld [tilespmem:s18+$0x7860];
	s18 =	sshra.s32 s20, $0x2;
	s20 =	sadd.s32 $0x200, s20  }
0x7e: {  	v14 =	vld [tilespmem:s18+$0x7800]  }
0x7f: {  	v15 =	vld [tilespmem:s18+$0x7810]  }
0x80: {  	v16 =	vld [tilespmem:s18+$0x7820]  }
0x81: {  	v13 =	vld [tilespmem:s18+$0x7870]  }
0x82: {  	v6 =	vadd.f32 v10, v6;
	v10 =	vld [tilespmem:s18+$0x7860]  }
0x83: {  	v17 =	vld [tilespmem:s18+$0x7830];
	v1 =	vadd.f32 v11, v1;
	v5 =	vadd.f32 v14, v5  }
0x84: {  	v18 =	vld [tilespmem:s18+$0x7840];
	v3 =	vadd.f32 v15, v3  }
0x85: {  	v11 =	vld [tilespmem:s18+$0x7850];
	v2 =	vadd.f32 v12, v2;
	v1 =	vadd.f32 v16, v1;
	[tilespmem:s16+$0x12100] =	vst v5  }
0x86: {  	v0 =	vadd.f32 v13, v0;
	[tilespmem:s16+$0x12110] =	vst v3  }
0x87: {  	v7 =	vadd.f32 v7, v8;
	v2 =	vadd.f32 v10, v2;
	[tilespmem:s16+$0x12120] =	vst v1  }
0x88: {  	v4 =	vadd.f32 v9, v4;
	v5 =	vadd.f32 v17, v6;
	[tilespmem:s16+$0x12170] =	vst v0  }
0x89: {  	v3 =	vadd.f32 v18, v7;
	[tilespmem:s16+$0x12160] =	vst v2  }
0x8a: {  	s0 =	smin.u32 s14, $0x75;
	v1 =	vadd.f32 v11, v4;
	[tilespmem:s16+$0x12130] =	vst v5  }
0x8b: {  	s0 =	sshll.u32 s0, $0x7;
	[tilespmem:s16+$0x12140] =	vst v3  }
0x8c: {  	s0 =	sadd.s32 $0x500, s0;
	[tilespmem:s16+$0x12150] =	vst v1  }
0x8d: {  	[tilespmem:s13], [sflag:$0x3] =	stream.indirect.gather [hbm4b:s2+s8], $0x80, s0, s8, $0xb8;
	[tilespmem:$0x16000] =	vst v63  }
0x8e: {  	_ =	swait.ge [sflag:s26], $0x1900  }
0x8f: {  	[sflag:s26] =	ssyncset.done $0x0  }
0x90: {  	s0 =	simm.s32 $0x0;
	[sflag:s26] =	ssyncadd.s32 $0xFFFFE700  }
0x91: {  	v0 =	vld [tilespmem:s0+$0x9470]  }
0x92: {  	v2 =	vld [tilespmem:s0+$0x9400]  }
0x93: {  	v3 =	vld [tilespmem:s0+$0x9410]  }
0x94: {  	v11 =	vld [tilespmem:s0+$0x9420]  }
0x95: {  	v10 =	vld [tilespmem:s0+$0x9430]  }
0x96: {  	v8 =	vimm.f32 $0.0e+00;
	v1 =	vimm.f32 $0.0e+00;
	v7 =	vld [tilespmem:s0+$0x9440]  }
0x97: {  	v6 =	vimm.f32 $0.0e+00;
	v4 =	vimm.f32 $0.0e+00;
	v9 =	vld [tilespmem:s0+$0x9450];
	v0 =	vadd.f32 v0, v1  }
0x98: {  	s20 =	simm.s32 $0x400;
	s18 =	simm.s32 $0x80;
	v12 =	vld [tilespmem:s0+$0x9460];
	v5 =	vadd.f32 v2, v1;
	v3 =	vadd.f32 v3, v1;
	v2 =	vimm.f32 $0.0e+00  }
.LBB2_9:
0x99: {  	p0 =	sne.s32 s20, $0x6200;
	v13 =	vld [tilespmem:s18+$0x9470];
	v1 =	vadd.f32 v11, v1  }
0x9a: {  	v14 =	vld [tilespmem:s18+$0x9400];
	v6 =	vadd.f32 v10, v6  }
0x9b: {  	v15 =	vld [tilespmem:s18+$0x9410];
	v8 =	vadd.f32 v7, v8  }
.Ltmp3:
0x9c: {  	v11 =	vld [tilespmem:s18+$0x9420];
	v4 =	vadd.f32 v9, v4;
	(pc) =	sbr.rel @p0 .LBB2_9-.Ltmp3, $4  }
0x9d: {  	v10 =	vld [tilespmem:s18+$0x9430];
	v2 =	vadd.f32 v12, v2  }
0x9e: {  	v7 =	vld [tilespmem:s18+$0x9440];
	v0 =	vadd.f32 v13, v0  }
0x9f: {  	v5 =	vadd.f32 v14, v5;
	v9 =	vld [tilespmem:s18+$0x9450]  }
0xa0: {  	v3 =	vadd.f32 v15, v3;
	v12 =	vld [tilespmem:s18+$0x9460];
	s18 =	sshra.s32 s20, $0x2;
	s20 =	sadd.s32 $0x200, s20  }
0xa1: {  	v14 =	vld [tilespmem:s18+$0x9400]  }
0xa2: {  	v15 =	vld [tilespmem:s18+$0x9410]  }
0xa3: {  	v16 =	vld [tilespmem:s18+$0x9420]  }
0xa4: {  	v13 =	vld [tilespmem:s18+$0x9470]  }
0xa5: {  	v6 =	vadd.f32 v10, v6;
	v10 =	vld [tilespmem:s18+$0x9460]  }
0xa6: {  	v17 =	vld [tilespmem:s18+$0x9430];
	v1 =	vadd.f32 v11, v1;
	v5 =	vadd.f32 v14, v5  }
0xa7: {  	v18 =	vld [tilespmem:s18+$0x9440];
	v3 =	vadd.f32 v15, v3  }
0xa8: {  	v11 =	vld [tilespmem:s18+$0x9450];
	v2 =	vadd.f32 v12, v2;
	v1 =	vadd.f32 v16, v1;
	[tilespmem:s16+$0x12180] =	vst v5  }
0xa9: {  	v0 =	vadd.f32 v13, v0;
	[tilespmem:s16+$0x12190] =	vst v3  }
0xaa: {  	v7 =	vadd.f32 v7, v8;
	v2 =	vadd.f32 v10, v2;
	[tilespmem:s16+$0x121A0] =	vst v1  }
0xab: {  	v4 =	vadd.f32 v9, v4;
	v5 =	vadd.f32 v17, v6;
	[tilespmem:s16+$0x121F0] =	vst v0  }
0xac: {  	v3 =	vadd.f32 v18, v7;
	[tilespmem:s16+$0x121E0] =	vst v2  }
0xad: {  	s0 =	smin.u32 s14, $0x74;
	v1 =	vadd.f32 v11, v4;
	[tilespmem:s16+$0x121B0] =	vst v5  }
0xae: {  	s0 =	sshll.u32 s0, $0x7;
	[tilespmem:s16+$0x121C0] =	vst v3  }
0xaf: {  	s0 =	sadd.s32 $0x580, s0;
	[tilespmem:s16+$0x121D0] =	vst v1  }
0xb0: {  	[tilespmem:s15], [sflag:$0x4] =	stream.indirect.gather [hbm4b:s2+s8], $0x80, s0, s8, $0xb8;
	[tilespmem:$0x16000] =	vst v63  }
0xb1: {  	_ =	swait.ge [sflag:s28], $0x1900  }
0xb2: {  	[sflag:s28] =	ssyncset.done $0x0  }
0xb3: {  	s0 =	simm.s32 $0x0;
	[sflag:s28] =	ssyncadd.s32 $0xFFFFE700  }
0xb4: {  	v0 =	vld [tilespmem:s0+$0xB070]  }
0xb5: {  	v2 =	vld [tilespmem:s0+$0xB000]  }
0xb6: {  	v3 =	vld [tilespmem:s0+$0xB010]  }
0xb7: {  	v11 =	vld [tilespmem:s0+$0xB020]  }
0xb8: {  	v10 =	vld [tilespmem:s0+$0xB030]  }
0xb9: {  	v8 =	vimm.f32 $0.0e+00;
	v1 =	vimm.f32 $0.0e+00;
	v7 =	vld [tilespmem:s0+$0xB040]  }
0xba: {  	v6 =	vimm.f32 $0.0e+00;
	v4 =	vimm.f32 $0.0e+00;
	v9 =	vld [tilespmem:s0+$0xB050];
	v0 =	vadd.f32 v0, v1  }
0xbb: {  	s20 =	simm.s32 $0x400;
	s18 =	simm.s32 $0x80;
	v12 =	vld [tilespmem:s0+$0xB060];
	v5 =	vadd.f32 v2, v1;
	v3 =	vadd.f32 v3, v1;
	v2 =	vimm.f32 $0.0e+00  }
.LBB2_11:
0xbc: {  	p0 =	sne.s32 s20, $0x6200;
	v13 =	vld [tilespmem:s18+$0xB070];
	v1 =	vadd.f32 v11, v1  }
0xbd: {  	v14 =	vld [tilespmem:s18+$0xB000];
	v6 =	vadd.f32 v10, v6  }
0xbe: {  	v15 =	vld [tilespmem:s18+$0xB010];
	v8 =	vadd.f32 v7, v8  }
.Ltmp4:
0xbf: {  	v11 =	vld [tilespmem:s18+$0xB020];
	v4 =	vadd.f32 v9, v4;
	(pc) =	sbr.rel @p0 .LBB2_11-.Ltmp4, $4  }
0xc0: {  	v10 =	vld [tilespmem:s18+$0xB030];
	v2 =	vadd.f32 v12, v2  }
0xc1: {  	v7 =	vld [tilespmem:s18+$0xB040];
	v0 =	vadd.f32 v13, v0  }
0xc2: {  	v5 =	vadd.f32 v14, v5;
	v9 =	vld [tilespmem:s18+$0xB050]  }
0xc3: {  	v3 =	vadd.f32 v15, v3;
	v12 =	vld [tilespmem:s18+$0xB060];
	s18 =	sshra.s32 s20, $0x2;
	s20 =	sadd.s32 $0x200, s20  }
0xc4: {  	v14 =	vld [tilespmem:s18+$0xB000]  }
0xc5: {  	v15 =	vld [tilespmem:s18+$0xB010]  }
0xc6: {  	v16 =	vld [tilespmem:s18+$0xB020]  }
0xc7: {  	v13 =	vld [tilespmem:s18+$0xB070]  }
0xc8: {  	v6 =	vadd.f32 v10, v6;
	v10 =	vld [tilespmem:s18+$0xB060]  }
0xc9: {  	v17 =	vld [tilespmem:s18+$0xB030];
	v1 =	vadd.f32 v11, v1;
	v5 =	vadd.f32 v14, v5  }
0xca: {  	v18 =	vld [tilespmem:s18+$0xB040];
	v3 =	vadd.f32 v15, v3  }
0xcb: {  	v11 =	vld [tilespmem:s18+$0xB050];
	v2 =	vadd.f32 v12, v2;
	v1 =	vadd.f32 v16, v1;
	[tilespmem:s16+$0x12200] =	vst v5  }
0xcc: {  	v0 =	vadd.f32 v13, v0;
	[tilespmem:s16+$0x12210] =	vst v3  }
0xcd: {  	v7 =	vadd.f32 v7, v8;
	v2 =	vadd.f32 v10, v2;
	[tilespmem:s16+$0x12220] =	vst v1  }
0xce: {  	v4 =	vadd.f32 v9, v4;
	v5 =	vadd.f32 v17, v6;
	[tilespmem:s16+$0x12270] =	vst v0  }
0xcf: {  	v3 =	vadd.f32 v18, v7;
	[tilespmem:s16+$0x12260] =	vst v2  }
0xd0: {  	s0 =	smin.u32 s14, $0x73;
	v1 =	vadd.f32 v11, v4;
	[tilespmem:s16+$0x12230] =	vst v5  }
0xd1: {  	s0 =	sshll.u32 s0, $0x7;
	[tilespmem:s16+$0x12240] =	vst v3  }
0xd2: {  	s0 =	sadd.s32 $0x600, s0;
	[tilespmem:s16+$0x12250] =	vst v1  }
0xd3: {  	[tilespmem:s17], [sflag:$0x5] =	stream.indirect.gather [hbm4b:s2+s8], $0x80, s0, s8, $0xb8;
	[tilespmem:$0x16000] =	vst v63  }
0xd4: {  	_ =	swait.ge [sflag:s29], $0x1900  }
0xd5: {  	[sflag:s29] =	ssyncset.done $0x0  }
0xd6: {  	s0 =	simm.s32 $0x0;
	[sflag:s29] =	ssyncadd.s32 $0xFFFFE700  }
0xd7: {  	v0 =	vld [tilespmem:s0+$0xCC70]  }
0xd8: {  	v2 =	vld [tilespmem:s0+$0xCC00]  }
0xd9: {  	v3 =	vld [tilespmem:s0+$0xCC10]  }
0xda: {  	v11 =	vld [tilespmem:s0+$0xCC20]  }
0xdb: {  	v10 =	vld [tilespmem:s0+$0xCC30]  }
0xdc: {  	v8 =	vimm.f32 $0.0e+00;
	v1 =	vimm.f32 $0.0e+00;
	v7 =	vld [tilespmem:s0+$0xCC40]  }
0xdd: {  	v6 =	vimm.f32 $0.0e+00;
	v4 =	vimm.f32 $0.0e+00;
	v9 =	vld [tilespmem:s0+$0xCC50];
	v0 =	vadd.f32 v0, v1  }
0xde: {  	s20 =	simm.s32 $0x400;
	s18 =	simm.s32 $0x80;
	v12 =	vld [tilespmem:s0+$0xCC60];
	v5 =	vadd.f32 v2, v1;
	v3 =	vadd.f32 v3, v1;
	v2 =	vimm.f32 $0.0e+00  }
.LBB2_13:
0xdf: {  	p0 =	sne.s32 s20, $0x6200;
	v13 =	vld [tilespmem:s18+$0xCC70];
	v1 =	vadd.f32 v11, v1  }
0xe0: {  	v14 =	vld [tilespmem:s18+$0xCC00];
	v6 =	vadd.f32 v10, v6  }
0xe1: {  	v15 =	vld [tilespmem:s18+$0xCC10];
	v8 =	vadd.f32 v7, v8  }
.Ltmp5:
0xe2: {  	v11 =	vld [tilespmem:s18+$0xCC20];
	v4 =	vadd.f32 v9, v4;
	(pc) =	sbr.rel @p0 .LBB2_13-.Ltmp5, $4  }
0xe3: {  	v10 =	vld [tilespmem:s18+$0xCC30];
	v2 =	vadd.f32 v12, v2  }
0xe4: {  	v7 =	vld [tilespmem:s18+$0xCC40];
	v0 =	vadd.f32 v13, v0  }
0xe5: {  	v5 =	vadd.f32 v14, v5;
	v9 =	vld [tilespmem:s18+$0xCC50]  }
0xe6: {  	v3 =	vadd.f32 v15, v3;
	v12 =	vld [tilespmem:s18+$0xCC60];
	s18 =	sshra.s32 s20, $0x2;
	s20 =	sadd.s32 $0x200, s20  }
0xe7: {  	v14 =	vld [tilespmem:s18+$0xCC00]  }
0xe8: {  	v15 =	vld [tilespmem:s18+$0xCC10]  }
0xe9: {  	v16 =	vld [tilespmem:s18+$0xCC20]  }
0xea: {  	v13 =	vld [tilespmem:s18+$0xCC70]  }
0xeb: {  	v6 =	vadd.f32 v10, v6;
	v10 =	vld [tilespmem:s18+$0xCC60]  }
0xec: {  	v17 =	vld [tilespmem:s18+$0xCC30];
	v1 =	vadd.f32 v11, v1;
	v5 =	vadd.f32 v14, v5  }
0xed: {  	v18 =	vld [tilespmem:s18+$0xCC40];
	v3 =	vadd.f32 v15, v3  }
0xee: {  	v11 =	vld [tilespmem:s18+$0xCC50];
	v2 =	vadd.f32 v12, v2;
	v1 =	vadd.f32 v16, v1;
	[tilespmem:s16+$0x12280] =	vst v5  }
0xef: {  	v0 =	vadd.f32 v13, v0;
	[tilespmem:s16+$0x12290] =	vst v3  }
0xf0: {  	v7 =	vadd.f32 v7, v8;
	v2 =	vadd.f32 v10, v2;
	[tilespmem:s16+$0x122A0] =	vst v1  }
0xf1: {  	v4 =	vadd.f32 v9, v4;
	v5 =	vadd.f32 v17, v6;
	[tilespmem:s16+$0x122F0] =	vst v0  }
0xf2: {  	v3 =	vadd.f32 v18, v7;
	[tilespmem:s16+$0x122E0] =	vst v2  }
0xf3: {  	s0 =	smin.u32 s14, $0x72;
	v1 =	vadd.f32 v11, v4;
	[tilespmem:s16+$0x122B0] =	vst v5  }
0xf4: {  	s0 =	sshll.u32 s0, $0x7;
	[tilespmem:s16+$0x122C0] =	vst v3  }
0xf5: {  	s0 =	sadd.s32 $0x680, s0;
	[tilespmem:s16+$0x122D0] =	vst v1  }
0xf6: {  	[tilespmem:s19], [sflag:$0x6] =	stream.indirect.gather [hbm4b:s2+s8], $0x80, s0, s8, $0xb8;
	[tilespmem:$0x16000] =	vst v63  }
0xf7: {  	_ =	swait.ge [sflag:s30], $0x1900  }
0xf8: {  	[sflag:s30] =	ssyncset.done $0x0  }
0xf9: {  	s0 =	simm.s32 $0x0;
	[sflag:s30] =	ssyncadd.s32 $0xFFFFE700  }
0xfa: {  	v0 =	vld [tilespmem:s0+$0xE870]  }
0xfb: {  	v2 =	vld [tilespmem:s0+$0xE800]  }
0xfc: {  	v3 =	vld [tilespmem:s0+$0xE810]  }
0xfd: {  	v11 =	vld [tilespmem:s0+$0xE820]  }
0xfe: {  	v10 =	vld [tilespmem:s0+$0xE830]  }
0xff: {  	v8 =	vimm.f32 $0.0e+00;
	v1 =	vimm.f32 $0.0e+00;
	v7 =	vld [tilespmem:s0+$0xE840]  }
0x100: {  	v6 =	vimm.f32 $0.0e+00;
	v4 =	vimm.f32 $0.0e+00;
	v9 =	vld [tilespmem:s0+$0xE850];
	v0 =	vadd.f32 v0, v1  }
0x101: {  	s20 =	simm.s32 $0x400;
	s18 =	simm.s32 $0x80;
	v12 =	vld [tilespmem:s0+$0xE860];
	v5 =	vadd.f32 v2, v1;
	v3 =	vadd.f32 v3, v1;
	v2 =	vimm.f32 $0.0e+00  }
.LBB2_15:
0x102: {  	p0 =	sne.s32 s20, $0x6200;
	v13 =	vld [tilespmem:s18+$0xE870];
	v1 =	vadd.f32 v11, v1  }
0x103: {  	v14 =	vld [tilespmem:s18+$0xE800];
	v6 =	vadd.f32 v10, v6  }
0x104: {  	v15 =	vld [tilespmem:s18+$0xE810];
	v8 =	vadd.f32 v7, v8  }
.Ltmp6:
0x105: {  	v11 =	vld [tilespmem:s18+$0xE820];
	v4 =	vadd.f32 v9, v4;
	(pc) =	sbr.rel @p0 .LBB2_15-.Ltmp6, $4  }
0x106: {  	v10 =	vld [tilespmem:s18+$0xE830];
	v2 =	vadd.f32 v12, v2  }
0x107: {  	v7 =	vld [tilespmem:s18+$0xE840];
	v0 =	vadd.f32 v13, v0  }
0x108: {  	v5 =	vadd.f32 v14, v5;
	v9 =	vld [tilespmem:s18+$0xE850]  }
0x109: {  	v3 =	vadd.f32 v15, v3;
	v12 =	vld [tilespmem:s18+$0xE860];
	s18 =	sshra.s32 s20, $0x2;
	s20 =	sadd.s32 $0x200, s20  }
0x10a: {  	v14 =	vld [tilespmem:s18+$0xE800]  }
0x10b: {  	v15 =	vld [tilespmem:s18+$0xE810]  }
0x10c: {  	v16 =	vld [tilespmem:s18+$0xE820]  }
0x10d: {  	v13 =	vld [tilespmem:s18+$0xE870]  }
0x10e: {  	v6 =	vadd.f32 v10, v6;
	v10 =	vld [tilespmem:s18+$0xE860]  }
0x10f: {  	v17 =	vld [tilespmem:s18+$0xE830];
	v1 =	vadd.f32 v11, v1;
	v5 =	vadd.f32 v14, v5  }
0x110: {  	v18 =	vld [tilespmem:s18+$0xE840];
	v3 =	vadd.f32 v15, v3  }
0x111: {  	v11 =	vld [tilespmem:s18+$0xE850];
	v2 =	vadd.f32 v12, v2;
	v1 =	vadd.f32 v16, v1;
	[tilespmem:s16+$0x12300] =	vst v5  }
0x112: {  	v0 =	vadd.f32 v13, v0;
	[tilespmem:s16+$0x12310] =	vst v3  }
0x113: {  	v7 =	vadd.f32 v7, v8;
	v2 =	vadd.f32 v10, v2;
	[tilespmem:s16+$0x12320] =	vst v1  }
0x114: {  	v4 =	vadd.f32 v9, v4;
	v5 =	vadd.f32 v17, v6;
	[tilespmem:s16+$0x12370] =	vst v0  }
0x115: {  	v3 =	vadd.f32 v18, v7;
	[tilespmem:s16+$0x12360] =	vst v2  }
0x116: {  	s0 =	smin.u32 s14, $0x71;
	v1 =	vadd.f32 v11, v4;
	[tilespmem:s16+$0x12330] =	vst v5  }
0x117: {  	s0 =	sshll.u32 s0, $0x7;
	[tilespmem:s16+$0x12340] =	vst v3  }
0x118: {  	s0 =	sadd.s32 $0x700, s0;
	[tilespmem:s16+$0x12350] =	vst v1  }
0x119: {  	[tilespmem:s21], [sflag:$0x7] =	stream.indirect.gather [hbm4b:s2+s8], $0x80, s0, s8, $0xb8;
	[tilespmem:$0x16000] =	vst v63  }
0x11a: {  	_ =	swait.ge [sflag:s31], $0x1900  }
0x11b: {  	[sflag:s31] =	ssyncset.done $0x0  }
0x11c: {  	s20 =	simm.s32 $0x0;
	[sflag:s31] =	ssyncadd.s32 $0xFFFFE700  }
0x11d: {  	v0 =	vld [tilespmem:s20+$0x10470]  }
0x11e: {  	v2 =	vld [tilespmem:s20+$0x10400]  }
0x11f: {  	v3 =	vld [tilespmem:s20+$0x10410]  }
0x120: {  	v11 =	vld [tilespmem:s20+$0x10420]  }
0x121: {  	v10 =	vld [tilespmem:s20+$0x10430]  }
0x122: {  	v8 =	vimm.f32 $0.0e+00;
	v1 =	vimm.f32 $0.0e+00;
	v7 =	vld [tilespmem:s20+$0x10440]  }
0x123: {  	v6 =	vimm.f32 $0.0e+00;
	v4 =	vimm.f32 $0.0e+00;
	v9 =	vld [tilespmem:s20+$0x10450];
	v0 =	vadd.f32 v0, v1  }
0x124: {  	s14 =	simm.s32 $0x80;
	s16 =	simm.s32 $0x400;
	v12 =	vld [tilespmem:s20+$0x10460];
	v5 =	vadd.f32 v2, v1;
	v3 =	vadd.f32 v3, v1;
	v2 =	vimm.f32 $0.0e+00  }
.LBB2_17:
0x125: {  	p0 =	sne.s32 s16, $0x6200;
	v13 =	vld [tilespmem:s14+$0x10470];
	v1 =	vadd.f32 v11, v1  }
0x126: {  	v14 =	vld [tilespmem:s14+$0x10400];
	v6 =	vadd.f32 v10, v6  }
0x127: {  	v15 =	vld [tilespmem:s14+$0x10410];
	v8 =	vadd.f32 v7, v8  }
.Ltmp7:
0x128: {  	v11 =	vld [tilespmem:s14+$0x10420];
	v4 =	vadd.f32 v9, v4;
	(pc) =	sbr.rel @p0 .LBB2_17-.Ltmp7, $4  }
0x129: {  	v10 =	vld [tilespmem:s14+$0x10430];
	v2 =	vadd.f32 v12, v2  }
0x12a: {  	v7 =	vld [tilespmem:s14+$0x10440];
	v0 =	vadd.f32 v13, v0  }
0x12b: {  	v5 =	vadd.f32 v14, v5;
	v9 =	vld [tilespmem:s14+$0x10450]  }
0x12c: {  	v3 =	vadd.f32 v15, v3;
	v12 =	vld [tilespmem:s14+$0x10460];
	s14 =	sshra.s32 s16, $0x2;
	s16 =	sadd.s32 $0x200, s16  }
0x12d: {  	v14 =	vld [tilespmem:s14+$0x10400]  }
0x12e: {  	v15 =	vld [tilespmem:s14+$0x10410]  }
0x12f: {  	v16 =	vld [tilespmem:s14+$0x10420]  }
0x130: {  	v17 =	vld [tilespmem:s14+$0x10430]  }
0x131: {  	v18 =	vld [tilespmem:s14+$0x10440]  }
0x132: {  	v1 =	vadd.f32 v11, v1;
	v59 =	vld [tilespmem:s14+$0x10450];
	v5 =	vadd.f32 v14, v5  }
0x133: {  	v13 =	vld [tilespmem:s14+$0x10470];
	v6 =	vadd.f32 v10, v6;
	v3 =	vadd.f32 v15, v3  }
0x134: {  	v60 =	vld [tilespmem:s14+$0x10460];
	v7 =	vadd.f32 v7, v8;
	v1 =	vadd.f32 v16, v1;
	[tilespmem:s12+$0x12000] =	vst v5  }
0x135: {  	s10 =	sadd.s32 $0x1, s10;
	v4 =	vadd.f32 v9, v4;
	v61 =	vadd.f32 v17, v6;
	[tilespmem:s12+$0x12010] =	vst v3  }
0x136: {  	p0 =	sne.s32 s10, $0x10;
	v62 =	vadd.f32 v18, v7;
	[tilespmem:s12+$0x12020] =	vst v1  }
.Ltmp8:
0x137: {  	v2 =	vadd.f32 v12, v2;
	v63 =	vadd.f32 v59, v4;
	[tilespmem:s12+$0x12030] =	vst v61;
	(pc) =	sbr.rel @p0 .LBB2_2-.Ltmp8, $4  }
0x138: {  	v0 =	vadd.f32 v13, v0;
	[tilespmem:s12+$0x12040] =	vst v62  }
0x139: {  	v2 =	vadd.f32 v60, v2;
	[tilespmem:s12+$0x12050] =	vst v63  }
0x13a: {  	[tilespmem:s12+$0x12070] =	vst v0  }
0x13b: {  	[tilespmem:s12+$0x12060] =	vst v2  }
0x13c: {  	_ =	swait.ge [sflag:s23], $0x1900  }
0x13d: {  	[sflag:s23] =	ssyncset.done $0x0  }
0x13e: {  	[sflag:s23] =	ssyncadd.s32 $0xFFFFE700  }
0x13f: {  	_ =	swait.ge [sflag:s24], $0x1900  }
0x140: {  	[sflag:s24] =	ssyncset.done $0x0  }
0x141: {  	[sflag:s24] =	ssyncadd.s32 $0xFFFFE700  }
0x142: {  	_ =	swait.ge [sflag:s25], $0x1900  }
0x143: {  	[sflag:s25] =	ssyncset.done $0x0  }
0x144: {  	[sflag:s25] =	ssyncadd.s32 $0xFFFFE700  }
0x145: {  	_ =	swait.ge [sflag:s26], $0x1900  }
0x146: {  	[sflag:s26] =	ssyncset.done $0x0  }
0x147: {  	[sflag:s26] =	ssyncadd.s32 $0xFFFFE700  }
0x148: {  	_ =	swait.ge [sflag:s28], $0x1900  }
0x149: {  	[sflag:s28] =	ssyncset.done $0x0  }
0x14a: {  	[sflag:s28] =	ssyncadd.s32 $0xFFFFE700  }
0x14b: {  	_ =	swait.ge [sflag:s29], $0x1900  }
0x14c: {  	[sflag:s29] =	ssyncset.done $0x0  }
0x14d: {  	[sflag:s29] =	ssyncadd.s32 $0xFFFFE700  }
0x14e: {  	s1 =	sadd.s32 $0x1, s1;
	_ =	swait.ge [sflag:s30], $0x1900  }
0x14f: {  	p0 =	sne.s32 s1, s6;
	[sflag:s30] =	ssyncset.done $0x0  }
.Ltmp9:
0x150: {  	s0 =	simm.s32 $0x12000;
	[sflag:s30] =	ssyncadd.s32 $0xFFFFE700;
	(pc) =	sbr.rel @p0 .LBB2_1-.Ltmp9, $4  }
0x151: {  	[hbm4b:s5+s3] =	stream.linear.scatter [tilespmem:s0], [sflag:$0x9], $0x4000, $0x38;
	[tilespmem:$0x16000] =	vst v63  }
0x152: {  	_ =	swait.ge [sflag:s7], $0x4000  }
0x153: {  	[sflag:s7] =	ssyncset.done $0x0  }
0x154: {  	[sflag:s7] =	ssyncadd.s32 $0xFFFFC000  }
0x155: {  	_ =	sfence.sel $0x180000  }
0x156: {  	[bflag:$0x0] =	sbarrier.arrive $0xFFFF  }
0x157: {  	_ =	strace $0x90000047  }
0x158: {  	s0 =	stileid.u32;
	[bflag:$0x2] =	sbarrier.arrive $0xFFFF  }
0x159: {  	p0 =	sne.s32 s0, $0x0;
	s0 =	rddreg [dreg:$0x3]  }
0x15a: {  	s0 =	sadd.s32 @!p0 $0x100000, s0  }
0x15b: {  	[sflag:s0] =	ssyncadd.tile.s32 @!p0 $0x1;
	_ =	shalt  }
.Lfunc_end2:
_tile_overlayer_lowered:
.L_overlay_start_2:
0x15c: {  	(tag) =	ssettag $0x2  }
0x15d: {  	s0 =	rddreg [dreg:$0x0];
	s2 =	stileid.u32  }
0x15e: {  	s1 =	rddreg [dreg:$0x1];
	p0 =	sne.s32 s2, $0x0  }
0x15f: {  	s3 =	rddreg [dreg:$0x2];
	[bflag:$0x3] =	sbarrier.arrive $0xFFFF;
	s2 =	simm.s32 @!p0 $0x1C09  }
0x160: {  	[timem:s3], [sflag:s2] =	dma.local @!p0 [hbm:s0], s1  }
0x161: {  	s0 =	simm.s32 @!p0 $0x9  }
0x162: {  	_ =	swait.ge @!p0 [sflag:s0], s1  }
0x163: {  	s1 =	ssub.s32 @!p0 $0x0, s1;
	[sflag:s0] =	ssyncset.done @!p0 $0x0  }
0x164: {  	[sflag:s0] =	ssyncadd.s32 @!p0 s1  }
0x165: {  	[bflag:$0x3] =	sbarrier.arrive $0xFFFF  }
0x166: {  	_ =	shalt  }

</sc_bundles>
